<compile_context>
chip_gen: v7x
topology: tpu7x:2x2x1
jax: 0.10.2.dev20260603
libtpu: 0.0.44.dev20260713+nightly
codegen_flags: <defaults>
</compile_context>

<pallas_src>
import numpy as _np

import jax
import jax.numpy as jnp
from jax import lax
from jax.experimental import pallas as pl
from jax.experimental.pallas import tpu as pltpu
from jax.experimental.pallas import tpu_sc as plsc

N_NODES = 10000
N_EDGES = 320000
D_FEAT = 128
D_EDGE = 16
D_OUT = 128

NC = 2
NS = 16
NW = NC * NS
E_PER_W = N_EDGES // NW
CHUNK = 80
GPC = 25
NGRP = E_PER_W // (CHUNK * GPC)
N_PAD = 10240
ROWS_PER_TILE = N_PAD // NS
NSTR = 1

_SLO = _np.concatenate([_np.arange(32 * g, 32 * g + 16) for g in range(4)])
_SHI = _np.concatenate([_np.arange(32 * g + 16, 32 * g + 32) for g in range(4)])
_SPERM = _np.concatenate([_SLO, _SHI]).astype(_np.int32)
QS = 1024.0



def _xm_body(x_ref, w_ref, b_ref, o_ref):
    o_ref[...] = (
        jnp.dot(x_ref[...], w_ref[...], preferred_element_type=jnp.float32)
        + b_ref[...]
    )


def _em_body(ea_ref, w_ref, o_ref):
    dn = (((0,), (0,)), ((), ()))
    a = lax.dot_general(ea_ref[...], w_ref[:, :64], dn,
                        preferred_element_type=jnp.float32)
    b = lax.dot_general(ea_ref[...], w_ref[:, 64:], dn,
                        preferred_element_type=jnp.float32)
    ai = (a * QS).astype(jnp.int32)
    bi = (b * QS).astype(jnp.int32)
    o_ref[...] = (ai & jnp.int32(0xFFFF)) | lax.shift_left(bi, 16)


def _upd_body(x_ref, a_ref, w1_ref, w2_ref, b_ref, o_ref):
    agg = a_ref[0] + a_ref[1]
    t = (
        jnp.dot(x_ref[...], w1_ref[...], preferred_element_type=jnp.float32)
        + jnp.dot(agg, w2_ref[...], preferred_element_type=jnp.float32)
        + b_ref[...]
    )
    o_ref[...] = jnp.maximum(t, 0.0)



def _sc_body(xm_hbm, em_hbm, src_hbm, dst_hbm, out_hbm,
             isb, idb0, idb1, rows0, rows1, emb0, emb1, agg_sh,
             sem_d0, sem_d1, sem_g0, sem_g1, sem_e0, sem_e1):
    c = lax.axis_index("c")
    s = lax.axis_index("s")
    w = s * NC + c

    zero16 = jnp.zeros((16,), jnp.float32)

    def zrow(i, carry):
        for j in range(8):
            rows0[i, pl.ds(j * 16, 16)] = zero16
        return carry

    lax.fori_loop(0, CHUNK, zrow, 0, unroll=False)
    for r in range(ROWS_PER_TILE // CHUNK):
        pltpu.sync_copy(rows0, agg_sh.at[pl.ds(s * ROWS_PER_TILE + r * CHUNK, CHUNK)])
    plsc.subcore_barrier()

    sh16 = jnp.full((16,), 16, jnp.int32)
    inv = jnp.full((16,), 1.0 / QS, jnp.float32)
    zf = jnp.zeros((16,), jnp.float32)

    rbuf = (rows0, rows1)
    ebuf = (emb0, emb1)
    dbuf = (idb0, idb1)
    dsem = (sem_d0, sem_d1)
    gsem = (sem_g0, sem_g1)
    esem = (sem_e0, sem_e1)

    def group(g, carry):
        gbase = w * E_PER_W + g * GPC * CHUNK
        pltpu.sync_copy(src_hbm.at[pl.ds(gbase, GPC * CHUNK)], isb)

        def start(cc, p):
            base = w * E_PER_W + (g * GPC + cc) * CHUNK
            pltpu.async_copy(dst_hbm.at[pl.ds(base, CHUNK)], dbuf[p], dsem[p])
            pltpu.async_copy(xm_hbm.at[isb.at[pl.ds(cc * CHUNK, CHUNK)]],
                             rbuf[p], gsem[p])
            pltpu.async_copy(em_hbm.at[pl.ds(base, CHUNK)], ebuf[p], esem[p])

        def work(cc, p):
            base = w * E_PER_W + (g * GPC + cc) * CHUNK
            rows = rbuf[p]
            emb = ebuf[p]
            pltpu.make_async_copy(xm_hbm.at[isb.at[pl.ds(cc * CHUNK, CHUNK)]],
                                  rows, gsem[p]).wait()
            pltpu.make_async_copy(em_hbm.at[pl.ds(base, CHUNK)], emb,
                                  esem[p]).wait()

            def erow(r, carry3):
                for gg in range(D_OUT // 32):
                    we = emb[r, pl.ds(gg * 16, 16)]
                    elo = lax.shift_right_arithmetic(
                        lax.shift_left(we, sh16), sh16).astype(jnp.float32) * inv
                    ehi = lax.shift_right_arithmetic(
                        we, sh16).astype(jnp.float32) * inv
                    lo_sl = pl.ds(gg * 32, 16)
                    hi_sl = pl.ds(gg * 32 + 16, 16)
                    rows[r, lo_sl] = jnp.maximum(rows[r, lo_sl] + elo, zf)
                    rows[r, hi_sl] = jnp.maximum(rows[r, hi_sl] + ehi, zf)
                return carry3

            lax.fori_loop(0, CHUNK, erow, 0, unroll=False)
            pltpu.make_async_copy(dst_hbm.at[pl.ds(base, CHUNK)], dbuf[p],
                                  dsem[p]).wait()
            pltpu.sync_copy(rows, agg_sh.at[dbuf[p]], add=True)

        start(0, 0)

        def pair(k, carry2):
            a = 2 * k
            start(a + 1, 1)
            work(a, 0)
            start(a + 2, 0)
            work(a + 1, 1)
            return carry2

        lax.fori_loop(0, (GPC - 1) // 2, pair, 0, unroll=False)
        work(GPC - 1, 0)
        return carry

    lax.fori_loop(0, NGRP, group, 0, unroll=False)

    plsc.subcore_barrier()
    off = s * ROWS_PER_TILE
    pltpu.sync_copy(agg_sh.at[pl.ds(off, ROWS_PER_TILE)],
                    out_hbm.at[c, pl.ds(off, ROWS_PER_TILE)])


@jax.jit
def _run(x, src, dst, edge_attr, W_msg, b_msg, W_upd, b_upd):
    perm = jnp.asarray(_SPERM)
    W1 = W_msg[:D_FEAT]
    W2 = W_msg[D_FEAT:][:, perm]
    Wu1 = W_upd[:D_FEAT]
    Wu2 = W_upd[D_FEAT:]
    b_msg2 = b_msg.reshape(1, D_OUT)
    b_upd2 = b_upd.reshape(1, D_OUT)

    xm = pl.pallas_call(
        _xm_body,
        out_shape=jax.ShapeDtypeStruct((N_NODES, D_OUT), jnp.float32),
    )(x, W1, b_msg2)

    EB = 16000
    em = pl.pallas_call(
        _em_body,
        grid=(N_EDGES // EB,),
        in_specs=[
            pl.BlockSpec((D_EDGE, EB), lambda i: (0, i)),
            pl.BlockSpec((D_EDGE, D_OUT), lambda i: (0, 0)),
        ],
        out_specs=pl.BlockSpec((EB, D_OUT // 2), lambda i: (i, 0)),
        out_shape=jax.ShapeDtypeStruct((N_EDGES, D_OUT // 2), jnp.int32),
    )(edge_attr.T, W2)

    mesh = plsc.VectorSubcoreMesh(
        core_axis_name="c", subcore_axis_name="s", num_cores=NC, num_subcores=NS
    )
    agg2 = pl.kernel(
        _sc_body,
        out_type=jax.ShapeDtypeStruct((NC, N_PAD, D_OUT), jnp.float32),
        mesh=mesh,
        scratch_types=[
            pltpu.VMEM((GPC * CHUNK,), jnp.int32),
            pltpu.VMEM((CHUNK,), jnp.int32),
            pltpu.VMEM((CHUNK,), jnp.int32),
            pltpu.VMEM((CHUNK, D_OUT), jnp.float32),
            pltpu.VMEM((CHUNK, D_OUT), jnp.float32),
            pltpu.VMEM((CHUNK, D_OUT // 2), jnp.int32),
            pltpu.VMEM((CHUNK, D_OUT // 2), jnp.int32),
            pltpu.VMEM_SHARED((N_PAD, D_OUT), jnp.float32),
            pltpu.SemaphoreType.DMA,
            pltpu.SemaphoreType.DMA,
            pltpu.SemaphoreType.DMA,
            pltpu.SemaphoreType.DMA,
            pltpu.SemaphoreType.DMA,
            pltpu.SemaphoreType.DMA,
        ],
    )(xm, em, src, dst)

    NB = 2000
    out = pl.pallas_call(
        _upd_body,
        grid=(N_NODES // NB,),
        in_specs=[
            pl.BlockSpec((NB, D_FEAT), lambda i: (i, 0)),
            pl.BlockSpec((NC, NB, D_OUT), lambda i: (0, i, 0)),
            pl.BlockSpec((D_FEAT, D_OUT), lambda i: (0, 0)),
            pl.BlockSpec((D_OUT, D_OUT), lambda i: (0, 0)),
            pl.BlockSpec((1, D_OUT), lambda i: (0, 0)),
        ],
        out_specs=pl.BlockSpec((NB, D_OUT), lambda i: (i, 0)),
        out_shape=jax.ShapeDtypeStruct((N_NODES, D_OUT), jnp.float32),
    )(x, agg2, Wu1, Wu2, b_upd2)
    return out


def kernel(x, edge_index, edge_attr, W_msg, b_msg, W_upd, b_upd):
    src = edge_index[0].astype(jnp.int32)
    dst = edge_index[1].astype(jnp.int32)
    return _run(x, src, dst, edge_attr, W_msg, b_msg, W_upd, b_upd)

# --- scband reference (transcript-rebuilt; emitter-appended) ---
"""Pipeline reference for scband-mpnnnet-7679401525284 (READ-ONLY COPY).

The authoritative reference and input builder live on the scoring server;
editing this copy changes nothing except your own understanding.
"""

import jax, jax.numpy as jnp
import numpy as np

N_NODES = 10000
N_EDGES = 320000
D_FEAT = 128
D_EDGE = 16
D_OUT = 128


def setup_inputs(seed: int = 0) -> dict:
    key = jax.random.key(seed)
    k1, k2, k3, k4, k5, k6, k7 = jax.random.split(key, 7)
    x = jax.random.normal(k1, (N_NODES, D_FEAT), dtype=jnp.float32)
    edge_index = jax.random.randint(k2, (2, N_EDGES), 0, N_NODES, dtype=jnp.int64)
    edge_attr = jax.random.normal(k3, (N_EDGES, D_EDGE), dtype=jnp.float32)
    # learned parameters (message MLP and update MLP), xavier-ish init
    W_msg = jax.random.normal(k4, (D_FEAT + D_EDGE, D_OUT), dtype=jnp.float32) * (1.0 / np.sqrt(D_FEAT + D_EDGE))
    b_msg = jnp.zeros((D_OUT,), dtype=jnp.float32)
    W_upd = jax.random.normal(k5, (D_FEAT + D_OUT, D_OUT), dtype=jnp.float32) * (1.0 / np.sqrt(D_FEAT + D_OUT))
    b_upd = jnp.zeros((D_OUT,), dtype=jnp.float32)
    return {"x": x, "edge_index": edge_index, "edge_attr": edge_attr,
            "W_msg": W_msg, "b_msg": b_msg, "W_upd": W_upd, "b_upd": b_upd}


def reference(x, edge_index, edge_attr, W_msg, b_msg, W_upd, b_upd):
    src = edge_index[0]
    dst = edge_index[1]
    # message phase: gather source node features, combine with edge features
    x_src = jnp.take(x, src, axis=0)                      # [E, D_FEAT] gather
    msg_in = jnp.concatenate([x_src, edge_attr], axis=-1)  # [E, D_FEAT + D_EDGE]
    msg = jax.nn.relu(msg_in @ W_msg + b_msg)              # [E, D_OUT]
    # aggregate phase: scatter-add messages to destination nodes
    agg = jax.ops.segment_sum(msg, dst, num_segments=N_NODES)  # [N, D_OUT]
    # update phase
    upd_in = jnp.concatenate([x, agg], axis=-1)            # [N, D_FEAT + D_OUT]
    out = jax.nn.relu(upd_in @ W_upd + b_upd)              # [N, D_OUT]
    return out

if __name__ == "__main__":
    import jax
    _d = setup_inputs()
    print(jax.jit(kernel)(*tuple(_d.values())))

</pallas_src>

<mosaic_0001>
#map = affine_map<(d0, d1) -> (0, 0)>
#map1 = affine_map<(d0, d1) -> (0)>
#map2 = affine_map<(d0, d1) -> (0, 0, 0)>
module attributes {stable_mosaic.version = 14 : i64} {
  func.func @_sc_body(%arg0: i32, %arg1: i32, %arg2: memref<10000x128xf32, #tpu.memory_space<hbm>>, %arg3: memref<320000x64xi32, #tpu.memory_space<hbm>>, %arg4: memref<320000xi32, #tpu.memory_space<hbm>>, %arg5: memref<320000xi32, #tpu.memory_space<hbm>>, %arg6: memref<2x10240x128xf32, #tpu.memory_space<hbm>>, %arg7: memref<2000xi32, #tpu.memory_space<vmem>>, %arg8: memref<80xi32, #tpu.memory_space<vmem>>, %arg9: memref<80xi32, #tpu.memory_space<vmem>>, %arg10: memref<80x128xf32, #tpu.memory_space<vmem>>, %arg11: memref<80x128xf32, #tpu.memory_space<vmem>>, %arg12: memref<80x64xi32, #tpu.memory_space<vmem>>, %arg13: memref<80x64xi32, #tpu.memory_space<vmem>>, %arg14: memref<10240x128xf32, #tpu.memory_space<vmem_shared>>, %arg15: memref<!tpu.dma_semaphore, #tpu.memory_space<semaphore_mem>>, %arg16: memref<!tpu.dma_semaphore, #tpu.memory_space<semaphore_mem>>, %arg17: memref<!tpu.dma_semaphore, #tpu.memory_space<semaphore_mem>>, %arg18: memref<!tpu.dma_semaphore, #tpu.memory_space<semaphore_mem>>, %arg19: memref<!tpu.dma_semaphore, #tpu.memory_space<semaphore_mem>>, %arg20: memref<!tpu.dma_semaphore, #tpu.memory_space<semaphore_mem>>) attributes {dimension_semantics = [#tpu.dimension_semantics<core_parallel>, #tpu.dimension_semantics<subcore_parallel>], iteration_bounds = array<i64: 2, 16>, scalar_prefetch = 0 : i64, scratch_operands = 14 : i64, tpu.core_type = #tpu.core_type<sc_vector_subcore>, window_params = [{transform_indices = #map}, {transform_indices = #map}, {transform_indices = #map1}, {transform_indices = #map1}, {transform_indices = #map2}]} {
    %mul3A = arith.constant 2 : i32
    %mul3A_0 = arith.muli %arg1, %mul3A : i32
    %add3A = arith.addi %mul3A_0, %arg0 : i32
    %broadcast_in_dim3A = arith.constant 0.000000e+00 : f32
    %broadcast_in_dim3A_1 = vector.broadcast %broadcast_in_dim3A : f32 to vector<16xf32>
    %scan3A = arith.constant 0 : i32
    %scan3A_2 = arith.constant 0 : i32
    %scan3A_3 = arith.constant 80 : i32
    %scan3A_4 = arith.addi %scan3A_2, %scan3A_3 : i32
    %scan3A_5 = arith.constant 1 : i32
    scf.for %scan3A_54 = %scan3A_2 to %scan3A_4 step %scan3A_5  : i32 {
      %swap3A = arith.index_cast %scan3A_54 : i32 to index
      %swap3A_55 = arith.constant 0 : index
      %swap3A_56 = tpu.vector_load %arg10[%swap3A, %swap3A_55] {strides = array<i32>} : memref<80x128xf32, #tpu.memory_space<vmem>>, vector<1x16xf32>,
      %swap3A_57 = vector.shape_cast %swap3A_56 : vector<1x16xf32> to vector<16xf32>
      %swap3A_58 = vector.shape_cast %broadcast_in_dim3A_1 : vector<16xf32> to vector<1x16xf32>
      tpu.vector_store %arg10[%swap3A, %swap3A_55], %swap3A_58 {strides = array<i32>} : memref<80x128xf32, #tpu.memory_space<vmem>>, vector<1x16xf32>,
      %swap3A_59 = arith.index_cast %scan3A_54 : i32 to index
      %swap3A_60 = arith.constant 16 : index
      %swap3A_61 = tpu.vector_load %arg10[%swap3A_59, %swap3A_60] {strides = array<i32>} : memref<80x128xf32, #tpu.memory_space<vmem>>, vector<1x16xf32>,
      %swap3A_62 = vector.shape_cast %swap3A_61 : vector<1x16xf32> to vector<16xf32>
      %swap3A_63 = vector.shape_cast %broadcast_in_dim3A_1 : vector<16xf32> to vector<1x16xf32>
      tpu.vector_store %arg10[%swap3A_59, %swap3A_60], %swap3A_63 {strides = array<i32>} : memref<80x128xf32, #tpu.memory_space<vmem>>, vector<1x16xf32>,
      %swap3A_64 = arith.index_cast %scan3A_54 : i32 to index
      %swap3A_65 = arith.constant 32 : index
      %swap3A_66 = tpu.vector_load %arg10[%swap3A_64, %swap3A_65] {strides = array<i32>} : memref<80x128xf32, #tpu.memory_space<vmem>>, vector<1x16xf32>,
      %swap3A_67 = vector.shape_cast %swap3A_66 : vector<1x16xf32> to vector<16xf32>
      %swap3A_68 = vector.shape_cast %broadcast_in_dim3A_1 : vector<16xf32> to vector<1x16xf32>
      tpu.vector_store %arg10[%swap3A_64, %swap3A_65], %swap3A_68 {strides = array<i32>} : memref<80x128xf32, #tpu.memory_space<vmem>>, vector<1x16xf32>,
      %swap3A_69 = arith.index_cast %scan3A_54 : i32 to index
      %swap3A_70 = arith.constant 48 : index
      %swap3A_71 = tpu.vector_load %arg10[%swap3A_69, %swap3A_70] {strides = array<i32>} : memref<80x128xf32, #tpu.memory_space<vmem>>, vector<1x16xf32>,
      %swap3A_72 = vector.shape_cast %swap3A_71 : vector<1x16xf32> to vector<16xf32>
      %swap3A_73 = vector.shape_cast %broadcast_in_dim3A_1 : vector<16xf32> to vector<1x16xf32>
      tpu.vector_store %arg10[%swap3A_69, %swap3A_70], %swap3A_73 {strides = array<i32>} : memref<80x128xf32, #tpu.memory_space<vmem>>, vector<1x16xf32>,
      %swap3A_74 = arith.index_cast %scan3A_54 : i32 to index
      %swap3A_75 = arith.constant 64 : index
      %swap3A_76 = tpu.vector_load %arg10[%swap3A_74, %swap3A_75] {strides = array<i32>} : memref<80x128xf32, #tpu.memory_space<vmem>>, vector<1x16xf32>,
      %swap3A_77 = vector.shape_cast %swap3A_76 : vector<1x16xf32> to vector<16xf32>
      %swap3A_78 = vector.shape_cast %broadcast_in_dim3A_1 : vector<16xf32> to vector<1x16xf32>
      tpu.vector_store %arg10[%swap3A_74, %swap3A_75], %swap3A_78 {strides = array<i32>} : memref<80x128xf32, #tpu.memory_space<vmem>>, vector<1x16xf32>,
      %swap3A_79 = arith.index_cast %scan3A_54 : i32 to index
      %swap3A_80 = arith.constant 80 : index
      %swap3A_81 = tpu.vector_load %arg10[%swap3A_79, %swap3A_80] {strides = array<i32>} : memref<80x128xf32, #tpu.memory_space<vmem>>, vector<1x16xf32>,
      %swap3A_82 = vector.shape_cast %swap3A_81 : vector<1x16xf32> to vector<16xf32>
      %swap3A_83 = vector.shape_cast %broadcast_in_dim3A_1 : vector<16xf32> to vector<1x16xf32>
      tpu.vector_store %arg10[%swap3A_79, %swap3A_80], %swap3A_83 {strides = array<i32>} : memref<80x128xf32, #tpu.memory_space<vmem>>, vector<1x16xf32>,
      %swap3A_84 = arith.index_cast %scan3A_54 : i32 to index
      %swap3A_85 = arith.constant 96 : index
      %swap3A_86 = tpu.vector_load %arg10[%swap3A_84, %swap3A_85] {strides = array<i32>} : memref<80x128xf32, #tpu.memory_space<vmem>>, vector<1x16xf32>,
      %swap3A_87 = vector.shape_cast %swap3A_86 : vector<1x16xf32> to vector<16xf32>
      %swap3A_88 = vector.shape_cast %broadcast_in_dim3A_1 : vector<16xf32> to vector<1x16xf32>
      tpu.vector_store %arg10[%swap3A_84, %swap3A_85], %swap3A_88 {strides = array<i32>} : memref<80x128xf32, #tpu.memory_space<vmem>>, vector<1x16xf32>,
      %swap3A_89 = arith.index_cast %scan3A_54 : i32 to index
      %swap3A_90 = arith.constant 112 : index
      %swap3A_91 = tpu.vector_load %arg10[%swap3A_89, %swap3A_90] {strides = array<i32>} : memref<80x128xf32, #tpu.memory_space<vmem>>, vector<1x16xf32>,
      %swap3A_92 = vector.shape_cast %swap3A_91 : vector<1x16xf32> to vector<16xf32>
      %swap3A_93 = vector.shape_cast %broadcast_in_dim3A_1 : vector<16xf32> to vector<1x16xf32>
      tpu.vector_store %arg10[%swap3A_89, %swap3A_90], %swap3A_93 {strides = array<i32>} : memref<80x128xf32, #tpu.memory_space<vmem>>, vector<1x16xf32>,
    }
    %scan3A_6 = arith.constant 80 : i32
    %mul3A_7 = arith.constant 640 : i32
    %mul3A_8 = arith.muli %arg1, %mul3A_7 : i32
    %add3A_9 = arith.constant 0 : i32
    %add3A_10 = arith.addi %mul3A_8, %add3A_9 : i32
    "tpu.region"() ({
      %run_scoped3A = tpu.sem_alloc : memref<!tpu.dma_semaphore, #tpu.memory_space<semaphore_mem>>
      %dma_start3A = arith.constant 0 : i32
      %dma_start3A_54 = tpu.memref_slice %arg14[%add3A_10, %dma_start3A] : memref<10240x128xf32, #tpu.memory_space<vmem_shared>> -> memref<80x128xf32, #tpu.memory_space<vmem_shared>>
      %dma_start3A_55 = arith.constant 0 : i32
      %dma_start3A_56 = tpu.memref_slice %arg14[%add3A_10, %dma_start3A_55] : memref<10240x128xf32, #tpu.memory_space<vmem_shared>> -> memref<80x128xf32, #tpu.memory_space<vmem_shared>>
      tpu.enqueue_dma source(%arg10 : memref<80x128xf32, #tpu.memory_space<vmem>>) target(%dma_start3A_56 : memref<80x128xf32, #tpu.memory_space<vmem_shared>>) target_semaphore(%run_scoped3A : memref<!tpu.dma_semaphore, #tpu.memory_space<semaphore_mem>>)
      %dma_wait3A = arith.constant 0 : i32
      %dma_wait3A_57 = tpu.memref_slice %arg14[%add3A_10, %dma_wait3A] : memref<10240x128xf32, #tpu.memory_space<vmem_shared>> -> memref<80x128xf32, #tpu.memory_space<vmem_shared>>
      %dma_wait3A_58 = arith.constant 0 : i32
      %dma_wait3A_59 = tpu.memref_slice %arg14[%add3A_10, %dma_wait3A_58] : memref<10240x128xf32, #tpu.memory_space<vmem_shared>> -> memref<80x128xf32, #tpu.memory_space<vmem_shared>>
      tpu.wait_dma2 semaphore(%run_scoped3A : memref<!tpu.dma_semaphore, #tpu.memory_space<semaphore_mem>>) src(%arg10 : memref<80x128xf32, #tpu.memory_space<vmem>>) dst(%dma_wait3A_59 : memref<80x128xf32, #tpu.memory_space<vmem_shared>>)
      tpu.yield
    }) : () -> ()
    %mul3A_11 = arith.constant 640 : i32
    %mul3A_12 = arith.muli %arg1, %mul3A_11 : i32
    %add3A_13 = arith.constant 80 : i32
    %add3A_14 = arith.addi %mul3A_12, %add3A_13 : i32
    "tpu.region"() ({
      %run_scoped3A = tpu.sem_alloc : memref<!tpu.dma_semaphore, #tpu.memory_space<semaphore_mem>>
      %dma_start3A = arith.constant 0 : i32
      %dma_start3A_54 = tpu.memref_slice %arg14[%add3A_14, %dma_start3A] : memref<10240x128xf32, #tpu.memory_space<vmem_shared>> -> memref<80x128xf32, #tpu.memory_space<vmem_shared>>
      %dma_start3A_55 = arith.constant 0 : i32
      %dma_start3A_56 = tpu.memref_slice %arg14[%add3A_14, %dma_start3A_55] : memref<10240x128xf32, #tpu.memory_space<vmem_shared>> -> memref<80x128xf32, #tpu.memory_space<vmem_shared>>
      tpu.enqueue_dma source(%arg10 : memref<80x128xf32, #tpu.memory_space<vmem>>) target(%dma_start3A_56 : memref<80x128xf32, #tpu.memory_space<vmem_shared>>) target_semaphore(%run_scoped3A : memref<!tpu.dma_semaphore, #tpu.memory_space<semaphore_mem>>)
      %dma_wait3A = arith.constant 0 : i32
      %dma_wait3A_57 = tpu.memref_slice %arg14[%add3A_14, %dma_wait3A] : memref<10240x128xf32, #tpu.memory_space<vmem_shared>> -> memref<80x128xf32, #tpu.memory_space<vmem_shared>>
      %dma_wait3A_58 = arith.constant 0 : i32
      %dma_wait3A_59 = tpu.memref_slice %arg14[%add3A_14, %dma_wait3A_58] : memref<10240x128xf32, #tpu.memory_space<vmem_shared>> -> memref<80x128xf32, #tpu.memory_space<vmem_shared>>
      tpu.wait_dma2 semaphore(%run_scoped3A : memref<!tpu.dma_semaphore, #tpu.memory_space<semaphore_mem>>) src(%arg10 : memref<80x128xf32, #tpu.memory_space<vmem>>) dst(%dma_wait3A_59 : memref<80x128xf32, #tpu.memory_space<vmem_shared>>)
      tpu.yield
    }) : () -> ()
    %mul3A_15 = arith.constant 640 : i32
    %mul3A_16 = arith.muli %arg1, %mul3A_15 : i32
    %add3A_17 = arith.constant 160 : i32
    %add3A_18 = arith.addi %mul3A_16, %add3A_17 : i32
    "tpu.region"() ({
      %run_scoped3A = tpu.sem_alloc : memref<!tpu.dma_semaphore, #tpu.memory_space<semaphore_mem>>
      %dma_start3A = arith.constant 0 : i32
      %dma_start3A_54 = tpu.memref_slice %arg14[%add3A_18, %dma_start3A] : memref<10240x128xf32, #tpu.memory_space<vmem_shared>> -> memref<80x128xf32, #tpu.memory_space<vmem_shared>>
      %dma_start3A_55 = arith.constant 0 : i32
      %dma_start3A_56 = tpu.memref_slice %arg14[%add3A_18, %dma_start3A_55] : memref<10240x128xf32, #tpu.memory_space<vmem_shared>> -> memref<80x128xf32, #tpu.memory_space<vmem_shared>>
      tpu.enqueue_dma source(%arg10 : memref<80x128xf32, #tpu.memory_space<vmem>>) target(%dma_start3A_56 : memref<80x128xf32, #tpu.memory_space<vmem_shared>>) target_semaphore(%run_scoped3A : memref<!tpu.dma_semaphore, #tpu.memory_space<semaphore_mem>>)
      %dma_wait3A = arith.constant 0 : i32
      %dma_wait3A_57 = tpu.memref_slice %arg14[%add3A_18, %dma_wait3A] : memref<10240x128xf32, #tpu.memory_space<vmem_shared>> -> memref<80x128xf32, #tpu.memory_space<vmem_shared>>
      %dma_wait3A_58 = arith.constant 0 : i32
      %dma_wait3A_59 = tpu.memref_slice %arg14[%add3A_18, %dma_wait3A_58] : memref<10240x128xf32, #tpu.memory_space<vmem_shared>> -> memref<80x128xf32, #tpu.memory_space<vmem_shared>>
      tpu.wait_dma2 semaphore(%run_scoped3A : memref<!tpu.dma_semaphore, #tpu.memory_space<semaphore_mem>>) src(%arg10 : memref<80x128xf32, #tpu.memory_space<vmem>>) dst(%dma_wait3A_59 : memref<80x128xf32, #tpu.memory_space<vmem_shared>>)
      tpu.yield
    }) : () -> ()
    %mul3A_19 = arith.constant 640 : i32
    %mul3A_20 = arith.muli %arg1, %mul3A_19 : i32
    %add3A_21 = arith.constant 240 : i32
    %add3A_22 = arith.addi %mul3A_20, %add3A_21 : i32
    "tpu.region"() ({
      %run_scoped3A = tpu.sem_alloc : memref<!tpu.dma_semaphore, #tpu.memory_space<semaphore_mem>>
      %dma_start3A = arith.constant 0 : i32
      %dma_start3A_54 = tpu.memref_slice %arg14[%add3A_22, %dma_start3A] : memref<10240x128xf32, #tpu.memory_space<vmem_shared>> -> memref<80x128xf32, #tpu.memory_space<vmem_shared>>
      %dma_start3A_55 = arith.constant 0 : i32
      %dma_start3A_56 = tpu.memref_slice %arg14[%add3A_22, %dma_start3A_55] : memref<10240x128xf32, #tpu.memory_space<vmem_shared>> -> memref<80x128xf32, #tpu.memory_space<vmem_shared>>
      tpu.enqueue_dma source(%arg10 : memref<80x128xf32, #tpu.memory_space<vmem>>) target(%dma_start3A_56 : memref<80x128xf32, #tpu.memory_space<vmem_shared>>) target_semaphore(%run_scoped3A : memref<!tpu.dma_semaphore, #tpu.memory_space<semaphore_mem>>)
      %dma_wait3A = arith.constant 0 : i32
      %dma_wait3A_57 = tpu.memref_slice %arg14[%add3A_22, %dma_wait3A] : memref<10240x128xf32, #tpu.memory_space<vmem_shared>> -> memref<80x128xf32, #tpu.memory_space<vmem_shared>>
      %dma_wait3A_58 = arith.constant 0 : i32
      %dma_wait3A_59 = tpu.memref_slice %arg14[%add3A_22, %dma_wait3A_58] : memref<10240x128xf32, #tpu.memory_space<vmem_shared>> -> memref<80x128xf32, #tpu.memory_space<vmem_shared>>
      tpu.wait_dma2 semaphore(%run_scoped3A : memref<!tpu.dma_semaphore, #tpu.memory_space<semaphore_mem>>) src(%arg10 : memref<80x128xf32, #tpu.memory_space<vmem>>) dst(%dma_wait3A_59 : memref<80x128xf32, #tpu.memory_space<vmem_shared>>)
      tpu.yield
    }) : () -> ()
    %mul3A_23 = arith.constant 640 : i32
    %mul3A_24 = arith.muli %arg1, %mul3A_23 : i32
    %add3A_25 = arith.constant 320 : i32
    %add3A_26 = arith.addi %mul3A_24, %add3A_25 : i32
    "tpu.region"() ({
      %run_scoped3A = tpu.sem_alloc : memref<!tpu.dma_semaphore, #tpu.memory_space<semaphore_mem>>
      %dma_start3A = arith.constant 0 : i32
      %dma_start3A_54 = tpu.memref_slice %arg14[%add3A_26, %dma_start3A] : memref<10240x128xf32, #tpu.memory_space<vmem_shared>> -> memref<80x128xf32, #tpu.memory_space<vmem_shared>>
      %dma_start3A_55 = arith.constant 0 : i32
      %dma_start3A_56 = tpu.memref_slice %arg14[%add3A_26, %dma_start3A_55] : memref<10240x128xf32, #tpu.memory_space<vmem_shared>> -> memref<80x128xf32, #tpu.memory_space<vmem_shared>>
      tpu.enqueue_dma source(%arg10 : memref<80x128xf32, #tpu.memory_space<vmem>>) target(%dma_start3A_56 : memref<80x128xf32, #tpu.memory_space<vmem_shared>>) target_semaphore(%run_scoped3A : memref<!tpu.dma_semaphore, #tpu.memory_space<semaphore_mem>>)
      %dma_wait3A = arith.constant 0 : i32
      %dma_wait3A_57 = tpu.memref_slice %arg14[%add3A_26, %dma_wait3A] : memref<10240x128xf32, #tpu.memory_space<vmem_shared>> -> memref<80x128xf32, #tpu.memory_space<vmem_shared>>
      %dma_wait3A_58 = arith.constant 0 : i32
      %dma_wait3A_59 = tpu.memref_slice %arg14[%add3A_26, %dma_wait3A_58] : memref<10240x128xf32, #tpu.memory_space<vmem_shared>> -> memref<80x128xf32, #tpu.memory_space<vmem_shared>>
      tpu.wait_dma2 semaphore(%run_scoped3A : memref<!tpu.dma_semaphore, #tpu.memory_space<semaphore_mem>>) src(%arg10 : memref<80x128xf32, #tpu.memory_space<vmem>>) dst(%dma_wait3A_59 : memref<80x128xf32, #tpu.memory_space<vmem_shared>>)
      tpu.yield
    }) : () -> ()
    %mul3A_27 = arith.constant 640 : i32
    %mul3A_28 = arith.muli %arg1, %mul3A_27 : i32
    %add3A_29 = arith.constant 400 : i32
    %add3A_30 = arith.addi %mul3A_28, %add3A_29 : i32
    "tpu.region"() ({
      %run_scoped3A = tpu.sem_alloc : memref<!tpu.dma_semaphore, #tpu.memory_space<semaphore_mem>>
      %dma_start3A = arith.constant 0 : i32
      %dma_start3A_54 = tpu.memref_slice %arg14[%add3A_30, %dma_start3A] : memref<10240x128xf32, #tpu.memory_space<vmem_shared>> -> memref<80x128xf32, #tpu.memory_space<vmem_shared>>
      %dma_start3A_55 = arith.constant 0 : i32
      %dma_start3A_56 = tpu.memref_slice %arg14[%add3A_30, %dma_start3A_55] : memref<10240x128xf32, #tpu.memory_space<vmem_shared>> -> memref<80x128xf32, #tpu.memory_space<vmem_shared>>
      tpu.enqueue_dma source(%arg10 : memref<80x128xf32, #tpu.memory_space<vmem>>) target(%dma_start3A_56 : memref<80x128xf32, #tpu.memory_space<vmem_shared>>) target_semaphore(%run_scoped3A : memref<!tpu.dma_semaphore, #tpu.memory_space<semaphore_mem>>)
      %dma_wait3A = arith.constant 0 : i32
      %dma_wait3A_57 = tpu.memref_slice %arg14[%add3A_30, %dma_wait3A] : memref<10240x128xf32, #tpu.memory_space<vmem_shared>> -> memref<80x128xf32, #tpu.memory_space<vmem_shared>>
      %dma_wait3A_58 = arith.constant 0 : i32
      %dma_wait3A_59 = tpu.memref_slice %arg14[%add3A_30, %dma_wait3A_58] : memref<10240x128xf32, #tpu.memory_space<vmem_shared>> -> memref<80x128xf32, #tpu.memory_space<vmem_shared>>
      tpu.wait_dma2 semaphore(%run_scoped3A : memref<!tpu.dma_semaphore, #tpu.memory_space<semaphore_mem>>) src(%arg10 : memref<80x128xf32, #tpu.memory_space<vmem>>) dst(%dma_wait3A_59 : memref<80x128xf32, #tpu.memory_space<vmem_shared>>)
      tpu.yield
    }) : () -> ()
    %mul3A_31 = arith.constant 640 : i32
    %mul3A_32 = arith.muli %arg1, %mul3A_31 : i32
    %add3A_33 = arith.constant 480 : i32
    %add3A_34 = arith.addi %mul3A_32, %add3A_33 : i32
    "tpu.region"() ({
      %run_scoped3A = tpu.sem_alloc : memref<!tpu.dma_semaphore, #tpu.memory_space<semaphore_mem>>
      %dma_start3A = arith.constant 0 : i32
      %dma_start3A_54 = tpu.memref_slice %arg14[%add3A_34, %dma_start3A] : memref<10240x128xf32, #tpu.memory_space<vmem_shared>> -> memref<80x128xf32, #tpu.memory_space<vmem_shared>>
      %dma_start3A_55 = arith.constant 0 : i32
      %dma_start3A_56 = tpu.memref_slice %arg14[%add3A_34, %dma_start3A_55] : memref<10240x128xf32, #tpu.memory_space<vmem_shared>> -> memref<80x128xf32, #tpu.memory_space<vmem_shared>>
      tpu.enqueue_dma source(%arg10 : memref<80x128xf32, #tpu.memory_space<vmem>>) target(%dma_start3A_56 : memref<80x128xf32, #tpu.memory_space<vmem_shared>>) target_semaphore(%run_scoped3A : memref<!tpu.dma_semaphore, #tpu.memory_space<semaphore_mem>>)
      %dma_wait3A = arith.constant 0 : i32
      %dma_wait3A_57 = tpu.memref_slice %arg14[%add3A_34, %dma_wait3A] : memref<10240x128xf32, #tpu.memory_space<vmem_shared>> -> memref<80x128xf32, #tpu.memory_space<vmem_shared>>
      %dma_wait3A_58 = arith.constant 0 : i32
      %dma_wait3A_59 = tpu.memref_slice %arg14[%add3A_34, %dma_wait3A_58] : memref<10240x128xf32, #tpu.memory_space<vmem_shared>> -> memref<80x128xf32, #tpu.memory_space<vmem_shared>>
      tpu.wait_dma2 semaphore(%run_scoped3A : memref<!tpu.dma_semaphore, #tpu.memory_space<semaphore_mem>>) src(%arg10 : memref<80x128xf32, #tpu.memory_space<vmem>>) dst(%dma_wait3A_59 : memref<80x128xf32, #tpu.memory_space<vmem_shared>>)
      tpu.yield
    }) : () -> ()
    %mul3A_35 = arith.constant 640 : i32
    %mul3A_36 = arith.muli %arg1, %mul3A_35 : i32
    %add3A_37 = arith.constant 560 : i32
    %add3A_38 = arith.addi %mul3A_36, %add3A_37 : i32
    "tpu.region"() ({
      %run_scoped3A = tpu.sem_alloc : memref<!tpu.dma_semaphore, #tpu.memory_space<semaphore_mem>>
      %dma_start3A = arith.constant 0 : i32
      %dma_start3A_54 = tpu.memref_slice %arg14[%add3A_38, %dma_start3A] : memref<10240x128xf32, #tpu.memory_space<vmem_shared>> -> memref<80x128xf32, #tpu.memory_space<vmem_shared>>
      %dma_start3A_55 = arith.constant 0 : i32
      %dma_start3A_56 = tpu.memref_slice %arg14[%add3A_38, %dma_start3A_55] : memref<10240x128xf32, #tpu.memory_space<vmem_shared>> -> memref<80x128xf32, #tpu.memory_space<vmem_shared>>
      tpu.enqueue_dma source(%arg10 : memref<80x128xf32, #tpu.memory_space<vmem>>) target(%dma_start3A_56 : memref<80x128xf32, #tpu.memory_space<vmem_shared>>) target_semaphore(%run_scoped3A : memref<!tpu.dma_semaphore, #tpu.memory_space<semaphore_mem>>)
      %dma_wait3A = arith.constant 0 : i32
      %dma_wait3A_57 = tpu.memref_slice %arg14[%add3A_38, %dma_wait3A] : memref<10240x128xf32, #tpu.memory_space<vmem_shared>> -> memref<80x128xf32, #tpu.memory_space<vmem_shared>>
      %dma_wait3A_58 = arith.constant 0 : i32
      %dma_wait3A_59 = tpu.memref_slice %arg14[%add3A_38, %dma_wait3A_58] : memref<10240x128xf32, #tpu.memory_space<vmem_shared>> -> memref<80x128xf32, #tpu.memory_space<vmem_shared>>
      tpu.wait_dma2 semaphore(%run_scoped3A : memref<!tpu.dma_semaphore, #tpu.memory_space<semaphore_mem>>) src(%arg10 : memref<80x128xf32, #tpu.memory_space<vmem>>) dst(%dma_wait3A_59 : memref<80x128xf32, #tpu.memory_space<vmem_shared>>)
      tpu.yield
    }) : () -> ()
    %barrier3A = arith.constant 0 : index
    tpu.barrier barrier_id(%barrier3A)
    %broadcast_in_dim3A_39 = arith.constant 16 : i32
    %broadcast_in_dim3A_40 = vector.broadcast %broadcast_in_dim3A_39 : i32 to vector<16xi32>
    %broadcast_in_dim3A_41 = arith.constant 9.765625E-4 : f32
    %broadcast_in_dim3A_42 = vector.broadcast %broadcast_in_dim3A_41 : f32 to vector<16xf32>
    %broadcast_in_dim3A_43 = arith.constant 0.000000e+00 : f32
    %broadcast_in_dim3A_44 = vector.broadcast %broadcast_in_dim3A_43 : f32 to vector<16xf32>
    %scan3A_45 = arith.constant 0 : i32
    %scan3A_46 = arith.constant 0 : i32
    %scan3A_47 = arith.constant 5 : i32
    %scan3A_48 = arith.addi %scan3A_46, %scan3A_47 : i32
    %scan3A_49 = arith.constant 1 : i32
    scf.for %scan3A_54 = %scan3A_46 to %scan3A_48 step %scan3A_49  : i32 {
      %mul3A_55 = arith.constant 10000 : i32
      %mul3A_56 = arith.muli %add3A, %mul3A_55 : i32
      %mul3A_57 = arith.constant 25 : i32
      %mul3A_58 = arith.muli %scan3A_54, %mul3A_57 : i32
      %mul3A_59 = arith.constant 80 : i32
      %mul3A_60 = arith.muli %mul3A_58, %mul3A_59 : i32
      %add3A_61 = arith.addi %mul3A_56, %mul3A_60 : i32
      "tpu.region"() ({
        %run_scoped3A = tpu.sem_alloc : memref<!tpu.dma_semaphore, #tpu.memory_space<semaphore_mem>>
        %dma_start3A_112 = tpu.memref_slice %arg4[%add3A_61] : memref<320000xi32, #tpu.memory_space<hbm>> -> memref<2000xi32, #tpu.memory_space<hbm>>
        %dma_start3A_113 = tpu.memref_slice %arg4[%add3A_61] : memref<320000xi32, #tpu.memory_space<hbm>> -> memref<2000xi32, #tpu.memory_space<hbm>>
        tpu.enqueue_dma source(%dma_start3A_113 : memref<2000xi32, #tpu.memory_space<hbm>>) target(%arg7 : memref<2000xi32, #tpu.memory_space<vmem>>) target_semaphore(%run_scoped3A : memref<!tpu.dma_semaphore, #tpu.memory_space<semaphore_mem>>)
        %dma_wait3A_114 = tpu.memref_slice %arg4[%add3A_61] : memref<320000xi32, #tpu.memory_space<hbm>> -> memref<2000xi32, #tpu.memory_space<hbm>>
        %dma_wait3A_115 = tpu.memref_slice %arg4[%add3A_61] : memref<320000xi32, #tpu.memory_space<hbm>> -> memref<2000xi32, #tpu.memory_space<hbm>>
        tpu.wait_dma2 semaphore(%run_scoped3A : memref<!tpu.dma_semaphore, #tpu.memory_space<semaphore_mem>>) src(%dma_wait3A_115 : memref<2000xi32, #tpu.memory_space<hbm>>) dst(%arg7 : memref<2000xi32, #tpu.memory_space<vmem>>)
        tpu.yield
      }) : () -> ()
      %mul3A_62 = arith.constant 10000 : i32
      %mul3A_63 = arith.muli %add3A, %mul3A_62 : i32
      %mul3A_64 = arith.constant 25 : i32
      %mul3A_65 = arith.muli %scan3A_54, %mul3A_64 : i32
      %add3A_66 = arith.constant 0 : i32
      %add3A_67 = arith.addi %mul3A_65, %add3A_66 : i32
      %mul3A_68 = arith.constant 80 : i32
      %mul3A_69 = arith.muli %add3A_67, %mul3A_68 : i32
      %add3A_70 = arith.addi %mul3A_63, %mul3A_69 : i32
      %dma_start3A = tpu.memref_slice %arg5[%add3A_70] : memref<320000xi32, #tpu.memory_space<hbm>> -> memref<80xi32, #tpu.memory_space<hbm>>
      %dma_start3A_71 = tpu.memref_slice %arg5[%add3A_70] : memref<320000xi32, #tpu.memory_space<hbm>> -> memref<80xi32, #tpu.memory_space<hbm>>
      tpu.enqueue_dma source(%dma_start3A_71 : memref<80xi32, #tpu.memory_space<hbm>>) target(%arg8 : memref<80xi32, #tpu.memory_space<vmem>>) target_semaphore(%arg15 : memref<!tpu.dma_semaphore, #tpu.memory_space<semaphore_mem>>)
      %dma_start3A_72 = arith.constant 0 : i32
      %dma_start3A_73 = tpu.memref_slice %arg7[%dma_start3A_72] : memref<2000xi32, #tpu.memory_space<vmem>> -> memref<80xi32, #tpu.memory_space<vmem>>
      %dma_start3A_74 = arith.constant 0 : i32
      %dma_start3A_75 = arith.constant 0 : i32
      %dma_start3A_76 = tpu.memref_slice %arg2[%dma_start3A_74, %dma_start3A_75] : memref<10000x128xf32, #tpu.memory_space<hbm>> -> memref<10000x128xf32, #tpu.memory_space<hbm>>
      tpu.enqueue_indirect_dma source(%dma_start3A_76 : memref<10000x128xf32, #tpu.memory_space<hbm>>) target(%arg10 : memref<80x128xf32, #tpu.memory_space<vmem>>) offsets(%dma_start3A_73 : memref<80xi32, #tpu.memory_space<vmem>>) semaphore(%arg17 : memref<!tpu.dma_semaphore, #tpu.memory_space<semaphore_mem>>)
      %dma_start3A_77 = arith.constant 0 : i32
      %dma_start3A_78 = tpu.memref_slice %arg3[%add3A_70, %dma_start3A_77] : memref<320000x64xi32, #tpu.memory_space<hbm>> -> memref<80x64xi32, #tpu.memory_space<hbm>>
      %dma_start3A_79 = arith.constant 0 : i32
      %dma_start3A_80 = tpu.memref_slice %arg3[%add3A_70, %dma_start3A_79] : memref<320000x64xi32, #tpu.memory_space<hbm>> -> memref<80x64xi32, #tpu.memory_space<hbm>>
      tpu.enqueue_dma source(%dma_start3A_80 : memref<80x64xi32, #tpu.memory_space<hbm>>) target(%arg12 : memref<80x64xi32, #tpu.memory_space<vmem>>) target_semaphore(%arg19 : memref<!tpu.dma_semaphore, #tpu.memory_space<semaphore_mem>>)
      %scan3A_81 = arith.constant 0 : i32
      %scan3A_82 = arith.constant 0 : i32
      %scan3A_83 = arith.constant 12 : i32
      %scan3A_84 = arith.addi %scan3A_82, %scan3A_83 : i32
      %scan3A_85 = arith.constant 1 : i32
      scf.for %scan3A_112 = %scan3A_82 to %scan3A_84 step %scan3A_85  : i32 {
        %mul3A_113 = arith.constant 2 : i32
        %mul3A_114 = arith.muli %mul3A_113, %scan3A_112 : i32
        %add3A_115 = arith.constant 1 : i32
        %add3A_116 = arith.addi %mul3A_114, %add3A_115 : i32
        %mul3A_117 = arith.constant 10000 : i32
        %mul3A_118 = arith.muli %add3A, %mul3A_117 : i32
        %mul3A_119 = arith.constant 25 : i32
        %mul3A_120 = arith.muli %scan3A_54, %mul3A_119 : i32
        %add3A_121 = arith.addi %mul3A_120, %add3A_116 : i32
        %mul3A_122 = arith.constant 80 : i32
        %mul3A_123 = arith.muli %add3A_121, %mul3A_122 : i32
        %add3A_124 = arith.addi %mul3A_118, %mul3A_123 : i32
        %dma_start3A_125 = tpu.memref_slice %arg5[%add3A_124] : memref<320000xi32, #tpu.memory_space<hbm>> -> memref<80xi32, #tpu.memory_space<hbm>>
        %dma_start3A_126 = tpu.memref_slice %arg5[%add3A_124] : memref<320000xi32, #tpu.memory_space<hbm>> -> memref<80xi32, #tpu.memory_space<hbm>>
        tpu.enqueue_dma source(%dma_start3A_126 : memref<80xi32, #tpu.memory_space<hbm>>) target(%arg9 : memref<80xi32, #tpu.memory_space<vmem>>) target_semaphore(%arg16 : memref<!tpu.dma_semaphore, #tpu.memory_space<semaphore_mem>>)
        %mul3A_127 = arith.constant 80 : i32
        %mul3A_128 = arith.muli %add3A_116, %mul3A_127 : i32
        %dma_start3A_129 = tpu.memref_slice %arg7[%mul3A_128] : memref<2000xi32, #tpu.memory_space<vmem>> -> memref<80xi32, #tpu.memory_space<vmem>>
        %dma_start3A_130 = arith.constant 0 : i32
        %dma_start3A_131 = arith.constant 0 : i32
        %dma_start3A_132 = tpu.memref_slice %arg2[%dma_start3A_130, %dma_start3A_131] : memref<10000x128xf32, #tpu.memory_space<hbm>> -> memref<10000x128xf32, #tpu.memory_space<hbm>>
        tpu.enqueue_indirect_dma source(%dma_start3A_132 : memref<10000x128xf32, #tpu.memory_space<hbm>>) target(%arg11 : memref<80x128xf32, #tpu.memory_space<vmem>>) offsets(%dma_start3A_129 : memref<80xi32, #tpu.memory_space<vmem>>) semaphore(%arg18 : memref<!tpu.dma_semaphore, #tpu.memory_space<semaphore_mem>>)
        %dma_start3A_133 = arith.constant 0 : i32
        %dma_start3A_134 = tpu.memref_slice %arg3[%add3A_124, %dma_start3A_133] : memref<320000x64xi32, #tpu.memory_space<hbm>> -> memref<80x64xi32, #tpu.memory_space<hbm>>
        %dma_start3A_135 = arith.constant 0 : i32
        %dma_start3A_136 = tpu.memref_slice %arg3[%add3A_124, %dma_start3A_135] : memref<320000x64xi32, #tpu.memory_space<hbm>> -> memref<80x64xi32, #tpu.memory_space<hbm>>
        tpu.enqueue_dma source(%dma_start3A_136 : memref<80x64xi32, #tpu.memory_space<hbm>>) target(%arg13 : memref<80x64xi32, #tpu.memory_space<vmem>>) target_semaphore(%arg20 : memref<!tpu.dma_semaphore, #tpu.memory_space<semaphore_mem>>)
        %mul3A_137 = arith.constant 10000 : i32
        %mul3A_138 = arith.muli %add3A, %mul3A_137 : i32
        %mul3A_139 = arith.constant 25 : i32
        %mul3A_140 = arith.muli %scan3A_54, %mul3A_139 : i32
        %add3A_141 = arith.addi %mul3A_140, %mul3A_114 : i32
        %mul3A_142 = arith.constant 80 : i32
        %mul3A_143 = arith.muli %add3A_141, %mul3A_142 : i32
        %add3A_144 = arith.addi %mul3A_138, %mul3A_143 : i32
        %mul3A_145 = arith.constant 80 : i32
        %mul3A_146 = arith.muli %mul3A_114, %mul3A_145 : i32
        %dma_wait3A_147 = tpu.memref_slice %arg7[%mul3A_146] : memref<2000xi32, #tpu.memory_space<vmem>> -> memref<80xi32, #tpu.memory_space<vmem>>
        %dma_wait3A_148 = arith.constant 0 : i32
        %dma_wait3A_149 = arith.constant 0 : i32
        %dma_wait3A_150 = tpu.memref_slice %arg2[%dma_wait3A_148, %dma_wait3A_149] : memref<10000x128xf32, #tpu.memory_space<hbm>> -> memref<10000x128xf32, #tpu.memory_space<hbm>>
        tpu.wait_indirect_dma semaphore(%arg17 : memref<!tpu.dma_semaphore, #tpu.memory_space<semaphore_mem>>) src(%dma_wait3A_150 : memref<10000x128xf32, #tpu.memory_space<hbm>>) dst(%arg10 : memref<80x128xf32, #tpu.memory_space<vmem>>)
        %dma_wait3A_151 = arith.constant 0 : i32
        %dma_wait3A_152 = tpu.memref_slice %arg3[%add3A_144, %dma_wait3A_151] : memref<320000x64xi32, #tpu.memory_space<hbm>> -> memref<80x64xi32, #tpu.memory_space<hbm>>
        %dma_wait3A_153 = arith.constant 0 : i32
        %dma_wait3A_154 = tpu.memref_slice %arg3[%add3A_144, %dma_wait3A_153] : memref<320000x64xi32, #tpu.memory_space<hbm>> -> memref<80x64xi32, #tpu.memory_space<hbm>>
        tpu.wait_dma2 semaphore(%arg19 : memref<!tpu.dma_semaphore, #tpu.memory_space<semaphore_mem>>) src(%dma_wait3A_154 : memref<80x64xi32, #tpu.memory_space<hbm>>) dst(%arg12 : memref<80x64xi32, #tpu.memory_space<vmem>>)
        %scan3A_155 = arith.constant 0 : i32
        %scan3A_156 = arith.constant 0 : i32
        %scan3A_157 = arith.constant 80 : i32
        %scan3A_158 = arith.addi %scan3A_156, %scan3A_157 : i32
        %scan3A_159 = arith.constant 1 : i32
        scf.for %scan3A_213 = %scan3A_156 to %scan3A_158 step %scan3A_159  : i32 {
          %get3A = arith.index_cast %scan3A_213 : i32 to index
          %get3A_214 = arith.constant 0 : index
          %get3A_215 = tpu.vector_load %arg12[%get3A, %get3A_214] {strides = array<i32>} : memref<80x64xi32, #tpu.memory_space<vmem>>, vector<1x16xi32>,
          %get3A_216 = vector.shape_cast %get3A_215 : vector<1x16xi32> to vector<16xi32>
          %shift_left3A = arith.shli %get3A_216, %broadcast_in_dim3A_40 : vector<16xi32>
          %shift_right_arithmetic3A = arith.shrsi %shift_left3A, %broadcast_in_dim3A_40 : vector<16xi32>
          %convert_element_type3A = arith.sitofp %shift_right_arithmetic3A : vector<16xi32> to vector<16xf32>
          %mul3A_217 = arith.mulf %convert_element_type3A, %broadcast_in_dim3A_42 : vector<16xf32>
          %shift_right_arithmetic3A_218 = arith.shrsi %get3A_216, %broadcast_in_dim3A_40 : vector<16xi32>
          %convert_element_type3A_219 = arith.sitofp %shift_right_arithmetic3A_218 : vector<16xi32> to vector<16xf32>
          %mul3A_220 = arith.mulf %convert_element_type3A_219, %broadcast_in_dim3A_42 : vector<16xf32>
          %get3A_221 = arith.index_cast %scan3A_213 : i32 to index
          %get3A_222 = arith.constant 0 : index
          %get3A_223 = tpu.vector_load %arg10[%get3A_221, %get3A_222] {strides = array<i32>} : memref<80x128xf32, #tpu.memory_space<vmem>>, vector<1x16xf32>,
          %get3A_224 = vector.shape_cast %get3A_223 : vector<1x16xf32> to vector<16xf32>
          %add3A_225 = arith.addf %get3A_224, %mul3A_217 : vector<16xf32>
          %max3A = arith.maximumf %add3A_225, %broadcast_in_dim3A_44 : vector<16xf32>
          %swap3A = arith.index_cast %scan3A_213 : i32 to index
          %swap3A_226 = arith.constant 0 : index
          %swap3A_227 = tpu.vector_load %arg10[%swap3A, %swap3A_226] {strides = array<i32>} : memref<80x128xf32, #tpu.memory_space<vmem>>, vector<1x16xf32>,
          %swap3A_228 = vector.shape_cast %swap3A_227 : vector<1x16xf32> to vector<16xf32>
          %swap3A_229 = vector.shape_cast %max3A : vector<16xf32> to vector<1x16xf32>
          tpu.vector_store %arg10[%swap3A, %swap3A_226], %swap3A_229 {strides = array<i32>} : memref<80x128xf32, #tpu.memory_space<vmem>>, vector<1x16xf32>,
          %get3A_230 = arith.index_cast %scan3A_213 : i32 to index
          %get3A_231 = arith.constant 16 : index
          %get3A_232 = tpu.vector_load %arg10[%get3A_230, %get3A_231] {strides = array<i32>} : memref<80x128xf32, #tpu.memory_space<vmem>>, vector<1x16xf32>,
          %get3A_233 = vector.shape_cast %get3A_232 : vector<1x16xf32> to vector<16xf32>
          %add3A_234 = arith.addf %get3A_233, %mul3A_220 : vector<16xf32>
          %max3A_235 = arith.maximumf %add3A_234, %broadcast_in_dim3A_44 : vector<16xf32>
          %swap3A_236 = arith.index_cast %scan3A_213 : i32 to index
          %swap3A_237 = arith.constant 16 : index
          %swap3A_238 = tpu.vector_load %arg10[%swap3A_236, %swap3A_237] {strides = array<i32>} : memref<80x128xf32, #tpu.memory_space<vmem>>, vector<1x16xf32>,
          %swap3A_239 = vector.shape_cast %swap3A_238 : vector<1x16xf32> to vector<16xf32>
          %swap3A_240 = vector.shape_cast %max3A_235 : vector<16xf32> to vector<1x16xf32>
          tpu.vector_store %arg10[%swap3A_236, %swap3A_237], %swap3A_240 {strides = array<i32>} : memref<80x128xf32, #tpu.memory_space<vmem>>, vector<1x16xf32>,
          %get3A_241 = arith.index_cast %scan3A_213 : i32 to index
          %get3A_242 = arith.constant 16 : index
          %get3A_243 = tpu.vector_load %arg12[%get3A_241, %get3A_242] {strides = array<i32>} : memref<80x64xi32, #tpu.memory_space<vmem>>, vector<1x16xi32>,
          %get3A_244 = vector.shape_cast %get3A_243 : vector<1x16xi32> to vector<16xi32>
          %shift_left3A_245 = arith.shli %get3A_244, %broadcast_in_dim3A_40 : vector<16xi32>
          %shift_right_arithmetic3A_246 = arith.shrsi %shift_left3A_245, %broadcast_in_dim3A_40 : vector<16xi32>
          %convert_element_type3A_247 = arith.sitofp %shift_right_arithmetic3A_246 : vector<16xi32> to vector<16xf32>
          %mul3A_248 = arith.mulf %convert_element_type3A_247, %broadcast_in_dim3A_42 : vector<16xf32>
          %shift_right_arithmetic3A_249 = arith.shrsi %get3A_244, %broadcast_in_dim3A_40 : vector<16xi32>
          %convert_element_type3A_250 = arith.sitofp %shift_right_arithmetic3A_249 : vector<16xi32> to vector<16xf32>
          %mul3A_251 = arith.mulf %convert_element_type3A_250, %broadcast_in_dim3A_42 : vector<16xf32>
          %get3A_252 = arith.index_cast %scan3A_213 : i32 to index
          %get3A_253 = arith.constant 32 : index
          %get3A_254 = tpu.vector_load %arg10[%get3A_252, %get3A_253] {strides = array<i32>} : memref<80x128xf32, #tpu.memory_space<vmem>>, vector<1x16xf32>,
          %get3A_255 = vector.shape_cast %get3A_254 : vector<1x16xf32> to vector<16xf32>
          %add3A_256 = arith.addf %get3A_255, %mul3A_248 : vector<16xf32>
          %max3A_257 = arith.maximumf %add3A_256, %broadcast_in_dim3A_44 : vector<16xf32>
          %swap3A_258 = arith.index_cast %scan3A_213 : i32 to index
          %swap3A_259 = arith.constant 32 : index
          %swap3A_260 = tpu.vector_load %arg10[%swap3A_258, %swap3A_259] {strides = array<i32>} : memref<80x128xf32, #tpu.memory_space<vmem>>, vector<1x16xf32>,
          %swap3A_261 = vector.shape_cast %swap3A_260 : vector<1x16xf32> to vector<16xf32>
          %swap3A_262 = vector.shape_cast %max3A_257 : vector<16xf32> to vector<1x16xf32>
          tpu.vector_store %arg10[%swap3A_258, %swap3A_259], %swap3A_262 {strides = array<i32>} : memref<80x128xf32, #tpu.memory_space<vmem>>, vector<1x16xf32>,
          %get3A_263 = arith.index_cast %scan3A_213 : i32 to index
          %get3A_264 = arith.constant 48 : index
          %get3A_265 = tpu.vector_load %arg10[%get3A_263, %get3A_264] {strides = array<i32>} : memref<80x128xf32, #tpu.memory_space<vmem>>, vector<1x16xf32>,
          %get3A_266 = vector.shape_cast %get3A_265 : vector<1x16xf32> to vector<16xf32>
          %add3A_267 = arith.addf %get3A_266, %mul3A_251 : vector<16xf32>
          %max3A_268 = arith.maximumf %add3A_267, %broadcast_in_dim3A_44 : vector<16xf32>
          %swap3A_269 = arith.index_cast %scan3A_213 : i32 to index
          %swap3A_270 = arith.constant 48 : index
          %swap3A_271 = tpu.vector_load %arg10[%swap3A_269, %swap3A_270] {strides = array<i32>} : memref<80x128xf32, #tpu.memory_space<vmem>>, vector<1x16xf32>,
          %swap3A_272 = vector.shape_cast %swap3A_271 : vector<1x16xf32> to vector<16xf32>
          %swap3A_273 = vector.shape_cast %max3A_268 : vector<16xf32> to vector<1x16xf32>
          tpu.vector_store %arg10[%swap3A_269, %swap3A_270], %swap3A_273 {strides = array<i32>} : memref<80x128xf32, #tpu.memory_space<vmem>>, vector<1x16xf32>,
          %get3A_274 = arith.index_cast %scan3A_213 : i32 to index
          %get3A_275 = arith.constant 32 : index
          %get3A_276 = tpu.vector_load %arg12[%get3A_274, %get3A_275] {strides = array<i32>} : memref<80x64xi32, #tpu.memory_space<vmem>>, vector<1x16xi32>,
          %get3A_277 = vector.shape_cast %get3A_276 : vector<1x16xi32> to vector<16xi32>
          %shift_left3A_278 = arith.shli %get3A_277, %broadcast_in_dim3A_40 : vector<16xi32>
          %shift_right_arithmetic3A_279 = arith.shrsi %shift_left3A_278, %broadcast_in_dim3A_40 : vector<16xi32>
          %convert_element_type3A_280 = arith.sitofp %shift_right_arithmetic3A_279 : vector<16xi32> to vector<16xf32>
          %mul3A_281 = arith.mulf %convert_element_type3A_280, %broadcast_in_dim3A_42 : vector<16xf32>
          %shift_right_arithmetic3A_282 = arith.shrsi %get3A_277, %broadcast_in_dim3A_40 : vector<16xi32>
          %convert_element_type3A_283 = arith.sitofp %shift_right_arithmetic3A_282 : vector<16xi32> to vector<16xf32>
          %mul3A_284 = arith.mulf %convert_element_type3A_283, %broadcast_in_dim3A_42 : vector<16xf32>
          %get3A_285 = arith.index_cast %scan3A_213 : i32 to index
          %get3A_286 = arith.constant 64 : index
          %get3A_287 = tpu.vector_load %arg10[%get3A_285, %get3A_286] {strides = array<i32>} : memref<80x128xf32, #tpu.memory_space<vmem>>, vector<1x16xf32>,
          %get3A_288 = vector.shape_cast %get3A_287 : vector<1x16xf32> to vector<16xf32>
          %add3A_289 = arith.addf %get3A_288, %mul3A_281 : vector<16xf32>
          %max3A_290 = arith.maximumf %add3A_289, %broadcast_in_dim3A_44 : vector<16xf32>
          %swap3A_291 = arith.index_cast %scan3A_213 : i32 to index
          %swap3A_292 = arith.constant 64 : index
          %swap3A_293 = tpu.vector_load %arg10[%swap3A_291, %swap3A_292] {strides = array<i32>} : memref<80x128xf32, #tpu.memory_space<vmem>>, vector<1x16xf32>,
          %swap3A_294 = vector.shape_cast %swap3A_293 : vector<1x16xf32> to vector<16xf32>
          %swap3A_295 = vector.shape_cast %max3A_290 : vector<16xf32> to vector<1x16xf32>
          tpu.vector_store %arg10[%swap3A_291, %swap3A_292], %swap3A_295 {strides = array<i32>} : memref<80x128xf32, #tpu.memory_space<vmem>>, vector<1x16xf32>,
          %get3A_296 = arith.index_cast %scan3A_213 : i32 to index
          %get3A_297 = arith.constant 80 : index
          %get3A_298 = tpu.vector_load %arg10[%get3A_296, %get3A_297] {strides = array<i32>} : memref<80x128xf32, #tpu.memory_space<vmem>>, vector<1x16xf32>,
          %get3A_299 = vector.shape_cast %get3A_298 : vector<1x16xf32> to vector<16xf32>
          %add3A_300 = arith.addf %get3A_299, %mul3A_284 : vector<16xf32>
          %max3A_301 = arith.maximumf %add3A_300, %broadcast_in_dim3A_44 : vector<16xf32>
          %swap3A_302 = arith.index_cast %scan3A_213 : i32 to index
          %swap3A_303 = arith.constant 80 : index
          %swap3A_304 = tpu.vector_load %arg10[%swap3A_302, %swap3A_303] {strides = array<i32>} : memref<80x128xf32, #tpu.memory_space<vmem>>, vector<1x16xf32>,
          %swap3A_305 = vector.shape_cast %swap3A_304 : vector<1x16xf32> to vector<16xf32>
          %swap3A_306 = vector.shape_cast %max3A_301 : vector<16xf32> to vector<1x16xf32>
          tpu.vector_store %arg10[%swap3A_302, %swap3A_303], %swap3A_306 {strides = array<i32>} : memref<80x128xf32, #tpu.memory_space<vmem>>, vector<1x16xf32>,
          %get3A_307 = arith.index_cast %scan3A_213 : i32 to index
          %get3A_308 = arith.constant 48 : index
          %get3A_309 = tpu.vector_load %arg12[%get3A_307, %get3A_308] {strides = array<i32>} : memref<80x64xi32, #tpu.memory_space<vmem>>, vector<1x16xi32>,
          %get3A_310 = vector.shape_cast %get3A_309 : vector<1x16xi32> to vector<16xi32>
          %shift_left3A_311 = arith.shli %get3A_310, %broadcast_in_dim3A_40 : vector<16xi32>
          %shift_right_arithmetic3A_312 = arith.shrsi %shift_left3A_311, %broadcast_in_dim3A_40 : vector<16xi32>
          %convert_element_type3A_313 = arith.sitofp %shift_right_arithmetic3A_312 : vector<16xi32> to vector<16xf32>
          %mul3A_314 = arith.mulf %convert_element_type3A_313, %broadcast_in_dim3A_42 : vector<16xf32>
          %shift_right_arithmetic3A_315 = arith.shrsi %get3A_310, %broadcast_in_dim3A_40 : vector<16xi32>
          %convert_element_type3A_316 = arith.sitofp %shift_right_arithmetic3A_315 : vector<16xi32> to vector<16xf32>
          %mul3A_317 = arith.mulf %convert_element_type3A_316, %broadcast_in_dim3A_42 : vector<16xf32>
          %get3A_318 = arith.index_cast %scan3A_213 : i32 to index
          %get3A_319 = arith.constant 96 : index
          %get3A_320 = tpu.vector_load %arg10[%get3A_318, %get3A_319] {strides = array<i32>} : memref<80x128xf32, #tpu.memory_space<vmem>>, vector<1x16xf32>,
          %get3A_321 = vector.shape_cast %get3A_320 : vector<1x16xf32> to vector<16xf32>
          %add3A_322 = arith.addf %get3A_321, %mul3A_314 : vector<16xf32>
          %max3A_323 = arith.maximumf %add3A_322, %broadcast_in_dim3A_44 : vector<16xf32>
          %swap3A_324 = arith.index_cast %scan3A_213 : i32 to index
          %swap3A_325 = arith.constant 96 : index
          %swap3A_326 = tpu.vector_load %arg10[%swap3A_324, %swap3A_325] {strides = array<i32>} : memref<80x128xf32, #tpu.memory_space<vmem>>, vector<1x16xf32>,
          %swap3A_327 = vector.shape_cast %swap3A_326 : vector<1x16xf32> to vector<16xf32>
          %swap3A_328 = vector.shape_cast %max3A_323 : vector<16xf32> to vector<1x16xf32>
          tpu.vector_store %arg10[%swap3A_324, %swap3A_325], %swap3A_328 {strides = array<i32>} : memref<80x128xf32, #tpu.memory_space<vmem>>, vector<1x16xf32>,
          %get3A_329 = arith.index_cast %scan3A_213 : i32 to index
          %get3A_330 = arith.constant 112 : index
          %get3A_331 = tpu.vector_load %arg10[%get3A_329, %get3A_330] {strides = array<i32>} : memref<80x128xf32, #tpu.memory_space<vmem>>, vector<1x16xf32>,
          %get3A_332 = vector.shape_cast %get3A_331 : vector<1x16xf32> to vector<16xf32>
          %add3A_333 = arith.addf %get3A_332, %mul3A_317 : vector<16xf32>
          %max3A_334 = arith.maximumf %add3A_333, %broadcast_in_dim3A_44 : vector<16xf32>
          %swap3A_335 = arith.index_cast %scan3A_213 : i32 to index
          %swap3A_336 = arith.constant 112 : index
          %swap3A_337 = tpu.vector_load %arg10[%swap3A_335, %swap3A_336] {strides = array<i32>} : memref<80x128xf32, #tpu.memory_space<vmem>>, vector<1x16xf32>,
          %swap3A_338 = vector.shape_cast %swap3A_337 : vector<1x16xf32> to vector<16xf32>
          %swap3A_339 = vector.shape_cast %max3A_334 : vector<16xf32> to vector<1x16xf32>
          tpu.vector_store %arg10[%swap3A_335, %swap3A_336], %swap3A_339 {strides = array<i32>} : memref<80x128xf32, #tpu.memory_space<vmem>>, vector<1x16xf32>,
        }
        %scan3A_160 = arith.constant 80 : i32
        %dma_wait3A_161 = tpu.memref_slice %arg5[%add3A_144] : memref<320000xi32, #tpu.memory_space<hbm>> -> memref<80xi32, #tpu.memory_space<hbm>>
        %dma_wait3A_162 = tpu.memref_slice %arg5[%add3A_144] : memref<320000xi32, #tpu.memory_space<hbm>> -> memref<80xi32, #tpu.memory_space<hbm>>
        tpu.wait_dma2 semaphore(%arg15 : memref<!tpu.dma_semaphore, #tpu.memory_space<semaphore_mem>>) src(%dma_wait3A_162 : memref<80xi32, #tpu.memory_space<hbm>>) dst(%arg8 : memref<80xi32, #tpu.memory_space<vmem>>)
        "tpu.region"() ({
          %run_scoped3A = tpu.sem_alloc : memref<!tpu.dma_semaphore, #tpu.memory_space<semaphore_mem>>
          %dma_start3A_213 = arith.constant 0 : i32
          %dma_start3A_214 = arith.constant 0 : i32
          %dma_start3A_215 = tpu.memref_slice %arg14[%dma_start3A_213, %dma_start3A_214] : memref<10240x128xf32, #tpu.memory_space<vmem_shared>> -> memref<10240x128xf32, #tpu.memory_space<vmem_shared>>
          tpu.enqueue_indirect_dma source(%arg10 : memref<80x128xf32, #tpu.memory_space<vmem>>) target(%dma_start3A_215 : memref<10240x128xf32, #tpu.memory_space<vmem_shared>>) offsets(%arg8 : memref<80xi32, #tpu.memory_space<vmem>>) semaphore(%run_scoped3A : memref<!tpu.dma_semaphore, #tpu.memory_space<semaphore_mem>>) {add = true}
          %dma_wait3A_216 = arith.constant 0 : i32
          %dma_wait3A_217 = arith.constant 0 : i32
          %dma_wait3A_218 = tpu.memref_slice %arg14[%dma_wait3A_216, %dma_wait3A_217] : memref<10240x128xf32, #tpu.memory_space<vmem_shared>> -> memref<10240x128xf32, #tpu.memory_space<vmem_shared>>
          tpu.wait_indirect_dma semaphore(%run_scoped3A : memref<!tpu.dma_semaphore, #tpu.memory_space<semaphore_mem>>) src(%arg10 : memref<80x128xf32, #tpu.memory_space<vmem>>) dst(%dma_wait3A_218 : memref<10240x128xf32, #tpu.memory_space<vmem_shared>>)
          tpu.yield
        }) : () -> ()
        %add3A_163 = arith.constant 2 : i32
        %add3A_164 = arith.addi %mul3A_114, %add3A_163 : i32
        %mul3A_165 = arith.constant 10000 : i32
        %mul3A_166 = arith.muli %add3A, %mul3A_165 : i32
        %mul3A_167 = arith.constant 25 : i32
        %mul3A_168 = arith.muli %scan3A_54, %mul3A_167 : i32
        %add3A_169 = arith.addi %mul3A_168, %add3A_164 : i32
        %mul3A_170 = arith.constant 80 : i32
        %mul3A_171 = arith.muli %add3A_169, %mul3A_170 : i32
        %add3A_172 = arith.addi %mul3A_166, %mul3A_171 : i32
        %dma_start3A_173 = tpu.memref_slice %arg5[%add3A_172] : memref<320000xi32, #tpu.memory_space<hbm>> -> memref<80xi32, #tpu.memory_space<hbm>>
        %dma_start3A_174 = tpu.memref_slice %arg5[%add3A_172] : memref<320000xi32, #tpu.memory_space<hbm>> -> memref<80xi32, #tpu.memory_space<hbm>>
        tpu.enqueue_dma source(%dma_start3A_174 : memref<80xi32, #tpu.memory_space<hbm>>) target(%arg8 : memref<80xi32, #tpu.memory_space<vmem>>) target_semaphore(%arg15 : memref<!tpu.dma_semaphore, #tpu.memory_space<semaphore_mem>>)
        %mul3A_175 = arith.constant 80 : i32
        %mul3A_176 = arith.muli %add3A_164, %mul3A_175 : i32
        %dma_start3A_177 = tpu.memref_slice %arg7[%mul3A_176] : memref<2000xi32, #tpu.memory_space<vmem>> -> memref<80xi32, #tpu.memory_space<vmem>>
        %dma_start3A_178 = arith.constant 0 : i32
        %dma_start3A_179 = arith.constant 0 : i32
        %dma_start3A_180 = tpu.memref_slice %arg2[%dma_start3A_178, %dma_start3A_179] : memref<10000x128xf32, #tpu.memory_space<hbm>> -> memref<10000x128xf32, #tpu.memory_space<hbm>>
        tpu.enqueue_indirect_dma source(%dma_start3A_180 : memref<10000x128xf32, #tpu.memory_space<hbm>>) target(%arg10 : memref<80x128xf32, #tpu.memory_space<vmem>>) offsets(%dma_start3A_177 : memref<80xi32, #tpu.memory_space<vmem>>) semaphore(%arg17 : memref<!tpu.dma_semaphore, #tpu.memory_space<semaphore_mem>>)
        %dma_start3A_181 = arith.constant 0 : i32
        %dma_start3A_182 = tpu.memref_slice %arg3[%add3A_172, %dma_start3A_181] : memref<320000x64xi32, #tpu.memory_space<hbm>> -> memref<80x64xi32, #tpu.memory_space<hbm>>
        %dma_start3A_183 = arith.constant 0 : i32
        %dma_start3A_184 = tpu.memref_slice %arg3[%add3A_172, %dma_start3A_183] : memref<320000x64xi32, #tpu.memory_space<hbm>> -> memref<80x64xi32, #tpu.memory_space<hbm>>
        tpu.enqueue_dma source(%dma_start3A_184 : memref<80x64xi32, #tpu.memory_space<hbm>>) target(%arg12 : memref<80x64xi32, #tpu.memory_space<vmem>>) target_semaphore(%arg19 : memref<!tpu.dma_semaphore, #tpu.memory_space<semaphore_mem>>)
        %add3A_185 = arith.constant 1 : i32
        %add3A_186 = arith.addi %mul3A_114, %add3A_185 : i32
        %mul3A_187 = arith.constant 10000 : i32
        %mul3A_188 = arith.muli %add3A, %mul3A_187 : i32
        %mul3A_189 = arith.constant 25 : i32
        %mul3A_190 = arith.muli %scan3A_54, %mul3A_189 : i32
        %add3A_191 = arith.addi %mul3A_190, %add3A_186 : i32
        %mul3A_192 = arith.constant 80 : i32
        %mul3A_193 = arith.muli %add3A_191, %mul3A_192 : i32
        %add3A_194 = arith.addi %mul3A_188, %mul3A_193 : i32
        %mul3A_195 = arith.constant 80 : i32
        %mul3A_196 = arith.muli %add3A_186, %mul3A_195 : i32
        %dma_wait3A_197 = tpu.memref_slice %arg7[%mul3A_196] : memref<2000xi32, #tpu.memory_space<vmem>> -> memref<80xi32, #tpu.memory_space<vmem>>
        %dma_wait3A_198 = arith.constant 0 : i32
        %dma_wait3A_199 = arith.constant 0 : i32
        %dma_wait3A_200 = tpu.memref_slice %arg2[%dma_wait3A_198, %dma_wait3A_199] : memref<10000x128xf32, #tpu.memory_space<hbm>> -> memref<10000x128xf32, #tpu.memory_space<hbm>>
        tpu.wait_indirect_dma semaphore(%arg18 : memref<!tpu.dma_semaphore, #tpu.memory_space<semaphore_mem>>) src(%dma_wait3A_200 : memref<10000x128xf32, #tpu.memory_space<hbm>>) dst(%arg11 : memref<80x128xf32, #tpu.memory_space<vmem>>)
        %dma_wait3A_201 = arith.constant 0 : i32
        %dma_wait3A_202 = tpu.memref_slice %arg3[%add3A_194, %dma_wait3A_201] : memref<320000x64xi32, #tpu.memory_space<hbm>> -> memref<80x64xi32, #tpu.memory_space<hbm>>
        %dma_wait3A_203 = arith.constant 0 : i32
        %dma_wait3A_204 = tpu.memref_slice %arg3[%add3A_194, %dma_wait3A_203] : memref<320000x64xi32, #tpu.memory_space<hbm>> -> memref<80x64xi32, #tpu.memory_space<hbm>>
        tpu.wait_dma2 semaphore(%arg20 : memref<!tpu.dma_semaphore, #tpu.memory_space<semaphore_mem>>) src(%dma_wait3A_204 : memref<80x64xi32, #tpu.memory_space<hbm>>) dst(%arg13 : memref<80x64xi32, #tpu.memory_space<vmem>>)
        %scan3A_205 = arith.constant 0 : i32
        %scan3A_206 = arith.constant 0 : i32
        %scan3A_207 = arith.constant 80 : i32
        %scan3A_208 = arith.addi %scan3A_206, %scan3A_207 : i32
        %scan3A_209 = arith.constant 1 : i32
        scf.for %scan3A_213 = %scan3A_206 to %scan3A_208 step %scan3A_209  : i32 {
          %get3A = arith.index_cast %scan3A_213 : i32 to index
          %get3A_214 = arith.constant 0 : index
          %get3A_215 = tpu.vector_load %arg13[%get3A, %get3A_214] {strides = array<i32>} : memref<80x64xi32, #tpu.memory_space<vmem>>, vector<1x16xi32>,
          %get3A_216 = vector.shape_cast %get3A_215 : vector<1x16xi32> to vector<16xi32>
          %shift_left3A = arith.shli %get3A_216, %broadcast_in_dim3A_40 : vector<16xi32>
          %shift_right_arithmetic3A = arith.shrsi %shift_left3A, %broadcast_in_dim3A_40 : vector<16xi32>
          %convert_element_type3A = arith.sitofp %shift_right_arithmetic3A : vector<16xi32> to vector<16xf32>
          %mul3A_217 = arith.mulf %convert_element_type3A, %broadcast_in_dim3A_42 : vector<16xf32>
          %shift_right_arithmetic3A_218 = arith.shrsi %get3A_216, %broadcast_in_dim3A_40 : vector<16xi32>
          %convert_element_type3A_219 = arith.sitofp %shift_right_arithmetic3A_218 : vector<16xi32> to vector<16xf32>
          %mul3A_220 = arith.mulf %convert_element_type3A_219, %broadcast_in_dim3A_42 : vector<16xf32>
          %get3A_221 = arith.index_cast %scan3A_213 : i32 to index
          %get3A_222 = arith.constant 0 : index
          %get3A_223 = tpu.vector_load %arg11[%get3A_221, %get3A_222] {strides = array<i32>} : memref<80x128xf32, #tpu.memory_space<vmem>>, vector<1x16xf32>,
          %get3A_224 = vector.shape_cast %get3A_223 : vector<1x16xf32> to vector<16xf32>
          %add3A_225 = arith.addf %get3A_224, %mul3A_217 : vector<16xf32>
          %max3A = arith.maximumf %add3A_225, %broadcast_in_dim3A_44 : vector<16xf32>
          %swap3A = arith.index_cast %scan3A_213 : i32 to index
          %swap3A_226 = arith.constant 0 : index
          %swap3A_227 = tpu.vector_load %arg11[%swap3A, %swap3A_226] {strides = array<i32>} : memref<80x128xf32, #tpu.memory_space<vmem>>, vector<1x16xf32>,
          %swap3A_228 = vector.shape_cast %swap3A_227 : vector<1x16xf32> to vector<16xf32>
          %swap3A_229 = vector.shape_cast %max3A : vector<16xf32> to vector<1x16xf32>
          tpu.vector_store %arg11[%swap3A, %swap3A_226], %swap3A_229 {strides = array<i32>} : memref<80x128xf32, #tpu.memory_space<vmem>>, vector<1x16xf32>,
          %get3A_230 = arith.index_cast %scan3A_213 : i32 to index
          %get3A_231 = arith.constant 16 : index
          %get3A_232 = tpu.vector_load %arg11[%get3A_230, %get3A_231] {strides = array<i32>} : memref<80x128xf32, #tpu.memory_space<vmem>>, vector<1x16xf32>,
          %get3A_233 = vector.shape_cast %get3A_232 : vector<1x16xf32> to vector<16xf32>
          %add3A_234 = arith.addf %get3A_233, %mul3A_220 : vector<16xf32>
          %max3A_235 = arith.maximumf %add3A_234, %broadcast_in_dim3A_44 : vector<16xf32>
          %swap3A_236 = arith.index_cast %scan3A_213 : i32 to index
          %swap3A_237 = arith.constant 16 : index
          %swap3A_238 = tpu.vector_load %arg11[%swap3A_236, %swap3A_237] {strides = array<i32>} : memref<80x128xf32, #tpu.memory_space<vmem>>, vector<1x16xf32>,
          %swap3A_239 = vector.shape_cast %swap3A_238 : vector<1x16xf32> to vector<16xf32>
          %swap3A_240 = vector.shape_cast %max3A_235 : vector<16xf32> to vector<1x16xf32>
          tpu.vector_store %arg11[%swap3A_236, %swap3A_237], %swap3A_240 {strides = array<i32>} : memref<80x128xf32, #tpu.memory_space<vmem>>, vector<1x16xf32>,
          %get3A_241 = arith.index_cast %scan3A_213 : i32 to index
          %get3A_242 = arith.constant 16 : index
          %get3A_243 = tpu.vector_load %arg13[%get3A_241, %get3A_242] {strides = array<i32>} : memref<80x64xi32, #tpu.memory_space<vmem>>, vector<1x16xi32>,
          %get3A_244 = vector.shape_cast %get3A_243 : vector<1x16xi32> to vector<16xi32>
          %shift_left3A_245 = arith.shli %get3A_244, %broadcast_in_dim3A_40 : vector<16xi32>
          %shift_right_arithmetic3A_246 = arith.shrsi %shift_left3A_245, %broadcast_in_dim3A_40 : vector<16xi32>
          %convert_element_type3A_247 = arith.sitofp %shift_right_arithmetic3A_246 : vector<16xi32> to vector<16xf32>
          %mul3A_248 = arith.mulf %convert_element_type3A_247, %broadcast_in_dim3A_42 : vector<16xf32>
          %shift_right_arithmetic3A_249 = arith.shrsi %get3A_244, %broadcast_in_dim3A_40 : vector<16xi32>
          %convert_element_type3A_250 = arith.sitofp %shift_right_arithmetic3A_249 : vector<16xi32> to vector<16xf32>
          %mul3A_251 = arith.mulf %convert_element_type3A_250, %broadcast_in_dim3A_42 : vector<16xf32>
          %get3A_252 = arith.index_cast %scan3A_213 : i32 to index
          %get3A_253 = arith.constant 32 : index
          %get3A_254 = tpu.vector_load %arg11[%get3A_252, %get3A_253] {strides = array<i32>} : memref<80x128xf32, #tpu.memory_space<vmem>>, vector<1x16xf32>,
          %get3A_255 = vector.shape_cast %get3A_254 : vector<1x16xf32> to vector<16xf32>
          %add3A_256 = arith.addf %get3A_255, %mul3A_248 : vector<16xf32>
          %max3A_257 = arith.maximumf %add3A_256, %broadcast_in_dim3A_44 : vector<16xf32>
          %swap3A_258 = arith.index_cast %scan3A_213 : i32 to index
          %swap3A_259 = arith.constant 32 : index
          %swap3A_260 = tpu.vector_load %arg11[%swap3A_258, %swap3A_259] {strides = array<i32>} : memref<80x128xf32, #tpu.memory_space<vmem>>, vector<1x16xf32>,
          %swap3A_261 = vector.shape_cast %swap3A_260 : vector<1x16xf32> to vector<16xf32>
          %swap3A_262 = vector.shape_cast %max3A_257 : vector<16xf32> to vector<1x16xf32>
          tpu.vector_store %arg11[%swap3A_258, %swap3A_259], %swap3A_262 {strides = array<i32>} : memref<80x128xf32, #tpu.memory_space<vmem>>, vector<1x16xf32>,
          %get3A_263 = arith.index_cast %scan3A_213 : i32 to index
          %get3A_264 = arith.constant 48 : index
          %get3A_265 = tpu.vector_load %arg11[%get3A_263, %get3A_264] {strides = array<i32>} : memref<80x128xf32, #tpu.memory_space<vmem>>, vector<1x16xf32>,
          %get3A_266 = vector.shape_cast %get3A_265 : vector<1x16xf32> to vector<16xf32>
          %add3A_267 = arith.addf %get3A_266, %mul3A_251 : vector<16xf32>
          %max3A_268 = arith.maximumf %add3A_267, %broadcast_in_dim3A_44 : vector<16xf32>
          %swap3A_269 = arith.index_cast %scan3A_213 : i32 to index
          %swap3A_270 = arith.constant 48 : index
          %swap3A_271 = tpu.vector_load %arg11[%swap3A_269, %swap3A_270] {strides = array<i32>} : memref<80x128xf32, #tpu.memory_space<vmem>>, vector<1x16xf32>,
          %swap3A_272 = vector.shape_cast %swap3A_271 : vector<1x16xf32> to vector<16xf32>
          %swap3A_273 = vector.shape_cast %max3A_268 : vector<16xf32> to vector<1x16xf32>
          tpu.vector_store %arg11[%swap3A_269, %swap3A_270], %swap3A_273 {strides = array<i32>} : memref<80x128xf32, #tpu.memory_space<vmem>>, vector<1x16xf32>,
          %get3A_274 = arith.index_cast %scan3A_213 : i32 to index
          %get3A_275 = arith.constant 32 : index
          %get3A_276 = tpu.vector_load %arg13[%get3A_274, %get3A_275] {strides = array<i32>} : memref<80x64xi32, #tpu.memory_space<vmem>>, vector<1x16xi32>,
          %get3A_277 = vector.shape_cast %get3A_276 : vector<1x16xi32> to vector<16xi32>
          %shift_left3A_278 = arith.shli %get3A_277, %broadcast_in_dim3A_40 : vector<16xi32>
          %shift_right_arithmetic3A_279 = arith.shrsi %shift_left3A_278, %broadcast_in_dim3A_40 : vector<16xi32>
          %convert_element_type3A_280 = arith.sitofp %shift_right_arithmetic3A_279 : vector<16xi32> to vector<16xf32>
          %mul3A_281 = arith.mulf %convert_element_type3A_280, %broadcast_in_dim3A_42 : vector<16xf32>
          %shift_right_arithmetic3A_282 = arith.shrsi %get3A_277, %broadcast_in_dim3A_40 : vector<16xi32>
          %convert_element_type3A_283 = arith.sitofp %shift_right_arithmetic3A_282 : vector<16xi32> to vector<16xf32>
          %mul3A_284 = arith.mulf %convert_element_type3A_283, %broadcast_in_dim3A_42 : vector<16xf32>
          %get3A_285 = arith.index_cast %scan3A_213 : i32 to index
          %get3A_286 = arith.constant 64 : index
          %get3A_287 = tpu.vector_load %arg11[%get3A_285, %get3A_286] {strides = array<i32>} : memref<80x128xf32, #tpu.memory_space<vmem>>, vector<1x16xf32>,
          %get3A_288 = vector.shape_cast %get3A_287 : vector<1x16xf32> to vector<16xf32>
          %add3A_289 = arith.addf %get3A_288, %mul3A_281 : vector<16xf32>
          %max3A_290 = arith.maximumf %add3A_289, %broadcast_in_dim3A_44 : vector<16xf32>
          %swap3A_291 = arith.index_cast %scan3A_213 : i32 to index
          %swap3A_292 = arith.constant 64 : index
          %swap3A_293 = tpu.vector_load %arg11[%swap3A_291, %swap3A_292] {strides = array<i32>} : memref<80x128xf32, #tpu.memory_space<vmem>>, vector<1x16xf32>,
          %swap3A_294 = vector.shape_cast %swap3A_293 : vector<1x16xf32> to vector<16xf32>
          %swap3A_295 = vector.shape_cast %max3A_290 : vector<16xf32> to vector<1x16xf32>
          tpu.vector_store %arg11[%swap3A_291, %swap3A_292], %swap3A_295 {strides = array<i32>} : memref<80x128xf32, #tpu.memory_space<vmem>>, vector<1x16xf32>,
          %get3A_296 = arith.index_cast %scan3A_213 : i32 to index
          %get3A_297 = arith.constant 80 : index
          %get3A_298 = tpu.vector_load %arg11[%get3A_296, %get3A_297] {strides = array<i32>} : memref<80x128xf32, #tpu.memory_space<vmem>>, vector<1x16xf32>,
          %get3A_299 = vector.shape_cast %get3A_298 : vector<1x16xf32> to vector<16xf32>
          %add3A_300 = arith.addf %get3A_299, %mul3A_284 : vector<16xf32>
          %max3A_301 = arith.maximumf %add3A_300, %broadcast_in_dim3A_44 : vector<16xf32>
          %swap3A_302 = arith.index_cast %scan3A_213 : i32 to index
          %swap3A_303 = arith.constant 80 : index
          %swap3A_304 = tpu.vector_load %arg11[%swap3A_302, %swap3A_303] {strides = array<i32>} : memref<80x128xf32, #tpu.memory_space<vmem>>, vector<1x16xf32>,
          %swap3A_305 = vector.shape_cast %swap3A_304 : vector<1x16xf32> to vector<16xf32>
          %swap3A_306 = vector.shape_cast %max3A_301 : vector<16xf32> to vector<1x16xf32>
          tpu.vector_store %arg11[%swap3A_302, %swap3A_303], %swap3A_306 {strides = array<i32>} : memref<80x128xf32, #tpu.memory_space<vmem>>, vector<1x16xf32>,
          %get3A_307 = arith.index_cast %scan3A_213 : i32 to index
          %get3A_308 = arith.constant 48 : index
          %get3A_309 = tpu.vector_load %arg13[%get3A_307, %get3A_308] {strides = array<i32>} : memref<80x64xi32, #tpu.memory_space<vmem>>, vector<1x16xi32>,
          %get3A_310 = vector.shape_cast %get3A_309 : vector<1x16xi32> to vector<16xi32>
          %shift_left3A_311 = arith.shli %get3A_310, %broadcast_in_dim3A_40 : vector<16xi32>
          %shift_right_arithmetic3A_312 = arith.shrsi %shift_left3A_311, %broadcast_in_dim3A_40 : vector<16xi32>
          %convert_element_type3A_313 = arith.sitofp %shift_right_arithmetic3A_312 : vector<16xi32> to vector<16xf32>
          %mul3A_314 = arith.mulf %convert_element_type3A_313, %broadcast_in_dim3A_42 : vector<16xf32>
          %shift_right_arithmetic3A_315 = arith.shrsi %get3A_310, %broadcast_in_dim3A_40 : vector<16xi32>
          %convert_element_type3A_316 = arith.sitofp %shift_right_arithmetic3A_315 : vector<16xi32> to vector<16xf32>
          %mul3A_317 = arith.mulf %convert_element_type3A_316, %broadcast_in_dim3A_42 : vector<16xf32>
          %get3A_318 = arith.index_cast %scan3A_213 : i32 to index
          %get3A_319 = arith.constant 96 : index
          %get3A_320 = tpu.vector_load %arg11[%get3A_318, %get3A_319] {strides = array<i32>} : memref<80x128xf32, #tpu.memory_space<vmem>>, vector<1x16xf32>,
          %get3A_321 = vector.shape_cast %get3A_320 : vector<1x16xf32> to vector<16xf32>
          %add3A_322 = arith.addf %get3A_321, %mul3A_314 : vector<16xf32>
          %max3A_323 = arith.maximumf %add3A_322, %broadcast_in_dim3A_44 : vector<16xf32>
          %swap3A_324 = arith.index_cast %scan3A_213 : i32 to index
          %swap3A_325 = arith.constant 96 : index
          %swap3A_326 = tpu.vector_load %arg11[%swap3A_324, %swap3A_325] {strides = array<i32>} : memref<80x128xf32, #tpu.memory_space<vmem>>, vector<1x16xf32>,
          %swap3A_327 = vector.shape_cast %swap3A_326 : vector<1x16xf32> to vector<16xf32>
          %swap3A_328 = vector.shape_cast %max3A_323 : vector<16xf32> to vector<1x16xf32>
          tpu.vector_store %arg11[%swap3A_324, %swap3A_325], %swap3A_328 {strides = array<i32>} : memref<80x128xf32, #tpu.memory_space<vmem>>, vector<1x16xf32>,
          %get3A_329 = arith.index_cast %scan3A_213 : i32 to index
          %get3A_330 = arith.constant 112 : index
          %get3A_331 = tpu.vector_load %arg11[%get3A_329, %get3A_330] {strides = array<i32>} : memref<80x128xf32, #tpu.memory_space<vmem>>, vector<1x16xf32>,
          %get3A_332 = vector.shape_cast %get3A_331 : vector<1x16xf32> to vector<16xf32>
          %add3A_333 = arith.addf %get3A_332, %mul3A_317 : vector<16xf32>
          %max3A_334 = arith.maximumf %add3A_333, %broadcast_in_dim3A_44 : vector<16xf32>
          %swap3A_335 = arith.index_cast %scan3A_213 : i32 to index
          %swap3A_336 = arith.constant 112 : index
          %swap3A_337 = tpu.vector_load %arg11[%swap3A_335, %swap3A_336] {strides = array<i32>} : memref<80x128xf32, #tpu.memory_space<vmem>>, vector<1x16xf32>,
          %swap3A_338 = vector.shape_cast %swap3A_337 : vector<1x16xf32> to vector<16xf32>
          %swap3A_339 = vector.shape_cast %max3A_334 : vector<16xf32> to vector<1x16xf32>
          tpu.vector_store %arg11[%swap3A_335, %swap3A_336], %swap3A_339 {strides = array<i32>} : memref<80x128xf32, #tpu.memory_space<vmem>>, vector<1x16xf32>,
        }
        %scan3A_210 = arith.constant 80 : i32
        %dma_wait3A_211 = tpu.memref_slice %arg5[%add3A_194] : memref<320000xi32, #tpu.memory_space<hbm>> -> memref<80xi32, #tpu.memory_space<hbm>>
        %dma_wait3A_212 = tpu.memref_slice %arg5[%add3A_194] : memref<320000xi32, #tpu.memory_space<hbm>> -> memref<80xi32, #tpu.memory_space<hbm>>
        tpu.wait_dma2 semaphore(%arg16 : memref<!tpu.dma_semaphore, #tpu.memory_space<semaphore_mem>>) src(%dma_wait3A_212 : memref<80xi32, #tpu.memory_space<hbm>>) dst(%arg9 : memref<80xi32, #tpu.memory_space<vmem>>)
        "tpu.region"() ({
          %run_scoped3A = tpu.sem_alloc : memref<!tpu.dma_semaphore, #tpu.memory_space<semaphore_mem>>
          %dma_start3A_213 = arith.constant 0 : i32
          %dma_start3A_214 = arith.constant 0 : i32
          %dma_start3A_215 = tpu.memref_slice %arg14[%dma_start3A_213, %dma_start3A_214] : memref<10240x128xf32, #tpu.memory_space<vmem_shared>> -> memref<10240x128xf32, #tpu.memory_space<vmem_shared>>
          tpu.enqueue_indirect_dma source(%arg11 : memref<80x128xf32, #tpu.memory_space<vmem>>) target(%dma_start3A_215 : memref<10240x128xf32, #tpu.memory_space<vmem_shared>>) offsets(%arg9 : memref<80xi32, #tpu.memory_space<vmem>>) semaphore(%run_scoped3A : memref<!tpu.dma_semaphore, #tpu.memory_space<semaphore_mem>>) {add = true}
          %dma_wait3A_216 = arith.constant 0 : i32
          %dma_wait3A_217 = arith.constant 0 : i32
          %dma_wait3A_218 = tpu.memref_slice %arg14[%dma_wait3A_216, %dma_wait3A_217] : memref<10240x128xf32, #tpu.memory_space<vmem_shared>> -> memref<10240x128xf32, #tpu.memory_space<vmem_shared>>
          tpu.wait_indirect_dma semaphore(%run_scoped3A : memref<!tpu.dma_semaphore, #tpu.memory_space<semaphore_mem>>) src(%arg11 : memref<80x128xf32, #tpu.memory_space<vmem>>) dst(%dma_wait3A_218 : memref<10240x128xf32, #tpu.memory_space<vmem_shared>>)
          tpu.yield
        }) : () -> ()
      }
      %scan3A_86 = arith.constant 12 : i32
      %mul3A_87 = arith.constant 10000 : i32
      %mul3A_88 = arith.muli %add3A, %mul3A_87 : i32
      %mul3A_89 = arith.constant 25 : i32
      %mul3A_90 = arith.muli %scan3A_54, %mul3A_89 : i32
      %add3A_91 = arith.constant 24 : i32
      %add3A_92 = arith.addi %mul3A_90, %add3A_91 : i32
      %mul3A_93 = arith.constant 80 : i32
      %mul3A_94 = arith.muli %add3A_92, %mul3A_93 : i32
      %add3A_95 = arith.addi %mul3A_88, %mul3A_94 : i32
      %dma_wait3A = arith.constant 1920 : i32
      %dma_wait3A_96 = tpu.memref_slice %arg7[%dma_wait3A] : memref<2000xi32, #tpu.memory_space<vmem>> -> memref<80xi32, #tpu.memory_space<vmem>>
      %dma_wait3A_97 = arith.constant 0 : i32
      %dma_wait3A_98 = arith.constant 0 : i32
      %dma_wait3A_99 = tpu.memref_slice %arg2[%dma_wait3A_97, %dma_wait3A_98] : memref<10000x128xf32, #tpu.memory_space<hbm>> -> memref<10000x128xf32, #tpu.memory_space<hbm>>
      tpu.wait_indirect_dma semaphore(%arg17 : memref<!tpu.dma_semaphore, #tpu.memory_space<semaphore_mem>>) src(%dma_wait3A_99 : memref<10000x128xf32, #tpu.memory_space<hbm>>) dst(%arg10 : memref<80x128xf32, #tpu.memory_space<vmem>>)
      %dma_wait3A_100 = arith.constant 0 : i32
      %dma_wait3A_101 = tpu.memref_slice %arg3[%add3A_95, %dma_wait3A_100] : memref<320000x64xi32, #tpu.memory_space<hbm>> -> memref<80x64xi32, #tpu.memory_space<hbm>>
      %dma_wait3A_102 = arith.constant 0 : i32
      %dma_wait3A_103 = tpu.memref_slice %arg3[%add3A_95, %dma_wait3A_102] : memref<320000x64xi32, #tpu.memory_space<hbm>> -> memref<80x64xi32, #tpu.memory_space<hbm>>
      tpu.wait_dma2 semaphore(%arg19 : memref<!tpu.dma_semaphore, #tpu.memory_space<semaphore_mem>>) src(%dma_wait3A_103 : memref<80x64xi32, #tpu.memory_space<hbm>>) dst(%arg12 : memref<80x64xi32, #tpu.memory_space<vmem>>)
      %scan3A_104 = arith.constant 0 : i32
      %scan3A_105 = arith.constant 0 : i32
      %scan3A_106 = arith.constant 80 : i32
      %scan3A_107 = arith.addi %scan3A_105, %scan3A_106 : i32
      %scan3A_108 = arith.constant 1 : i32
      scf.for %scan3A_112 = %scan3A_105 to %scan3A_107 step %scan3A_108  : i32 {
        %get3A = arith.index_cast %scan3A_112 : i32 to index
        %get3A_113 = arith.constant 0 : index
        %get3A_114 = tpu.vector_load %arg12[%get3A, %get3A_113] {strides = array<i32>} : memref<80x64xi32, #tpu.memory_space<vmem>>, vector<1x16xi32>,
        %get3A_115 = vector.shape_cast %get3A_114 : vector<1x16xi32> to vector<16xi32>
        %shift_left3A = arith.shli %get3A_115, %broadcast_in_dim3A_40 : vector<16xi32>
        %shift_right_arithmetic3A = arith.shrsi %shift_left3A, %broadcast_in_dim3A_40 : vector<16xi32>
        %convert_element_type3A = arith.sitofp %shift_right_arithmetic3A : vector<16xi32> to vector<16xf32>
        %mul3A_116 = arith.mulf %convert_element_type3A, %broadcast_in_dim3A_42 : vector<16xf32>
        %shift_right_arithmetic3A_117 = arith.shrsi %get3A_115, %broadcast_in_dim3A_40 : vector<16xi32>
        %convert_element_type3A_118 = arith.sitofp %shift_right_arithmetic3A_117 : vector<16xi32> to vector<16xf32>
        %mul3A_119 = arith.mulf %convert_element_type3A_118, %broadcast_in_dim3A_42 : vector<16xf32>
        %get3A_120 = arith.index_cast %scan3A_112 : i32 to index
        %get3A_121 = arith.constant 0 : index
        %get3A_122 = tpu.vector_load %arg10[%get3A_120, %get3A_121] {strides = array<i32>} : memref<80x128xf32, #tpu.memory_space<vmem>>, vector<1x16xf32>,
        %get3A_123 = vector.shape_cast %get3A_122 : vector<1x16xf32> to vector<16xf32>
        %add3A_124 = arith.addf %get3A_123, %mul3A_116 : vector<16xf32>
        %max3A = arith.maximumf %add3A_124, %broadcast_in_dim3A_44 : vector<16xf32>
        %swap3A = arith.index_cast %scan3A_112 : i32 to index
        %swap3A_125 = arith.constant 0 : index
        %swap3A_126 = tpu.vector_load %arg10[%swap3A, %swap3A_125] {strides = array<i32>} : memref<80x128xf32, #tpu.memory_space<vmem>>, vector<1x16xf32>,
        %swap3A_127 = vector.shape_cast %swap3A_126 : vector<1x16xf32> to vector<16xf32>
        %swap3A_128 = vector.shape_cast %max3A : vector<16xf32> to vector<1x16xf32>
        tpu.vector_store %arg10[%swap3A, %swap3A_125], %swap3A_128 {strides = array<i32>} : memref<80x128xf32, #tpu.memory_space<vmem>>, vector<1x16xf32>,
        %get3A_129 = arith.index_cast %scan3A_112 : i32 to index
        %get3A_130 = arith.constant 16 : index
        %get3A_131 = tpu.vector_load %arg10[%get3A_129, %get3A_130] {strides = array<i32>} : memref<80x128xf32, #tpu.memory_space<vmem>>, vector<1x16xf32>,
        %get3A_132 = vector.shape_cast %get3A_131 : vector<1x16xf32> to vector<16xf32>
        %add3A_133 = arith.addf %get3A_132, %mul3A_119 : vector<16xf32>
        %max3A_134 = arith.maximumf %add3A_133, %broadcast_in_dim3A_44 : vector<16xf32>
        %swap3A_135 = arith.index_cast %scan3A_112 : i32 to index
        %swap3A_136 = arith.constant 16 : index
        %swap3A_137 = tpu.vector_load %arg10[%swap3A_135, %swap3A_136] {strides = array<i32>} : memref<80x128xf32, #tpu.memory_space<vmem>>, vector<1x16xf32>,
        %swap3A_138 = vector.shape_cast %swap3A_137 : vector<1x16xf32> to vector<16xf32>
        %swap3A_139 = vector.shape_cast %max3A_134 : vector<16xf32> to vector<1x16xf32>
        tpu.vector_store %arg10[%swap3A_135, %swap3A_136], %swap3A_139 {strides = array<i32>} : memref<80x128xf32, #tpu.memory_space<vmem>>, vector<1x16xf32>,
        %get3A_140 = arith.index_cast %scan3A_112 : i32 to index
        %get3A_141 = arith.constant 16 : index
        %get3A_142 = tpu.vector_load %arg12[%get3A_140, %get3A_141] {strides = array<i32>} : memref<80x64xi32, #tpu.memory_space<vmem>>, vector<1x16xi32>,
        %get3A_143 = vector.shape_cast %get3A_142 : vector<1x16xi32> to vector<16xi32>
        %shift_left3A_144 = arith.shli %get3A_143, %broadcast_in_dim3A_40 : vector<16xi32>
        %shift_right_arithmetic3A_145 = arith.shrsi %shift_left3A_144, %broadcast_in_dim3A_40 : vector<16xi32>
        %convert_element_type3A_146 = arith.sitofp %shift_right_arithmetic3A_145 : vector<16xi32> to vector<16xf32>
        %mul3A_147 = arith.mulf %convert_element_type3A_146, %broadcast_in_dim3A_42 : vector<16xf32>
        %shift_right_arithmetic3A_148 = arith.shrsi %get3A_143, %broadcast_in_dim3A_40 : vector<16xi32>
        %convert_element_type3A_149 = arith.sitofp %shift_right_arithmetic3A_148 : vector<16xi32> to vector<16xf32>
        %mul3A_150 = arith.mulf %convert_element_type3A_149, %broadcast_in_dim3A_42 : vector<16xf32>
        %get3A_151 = arith.index_cast %scan3A_112 : i32 to index
        %get3A_152 = arith.constant 32 : index
        %get3A_153 = tpu.vector_load %arg10[%get3A_151, %get3A_152] {strides = array<i32>} : memref<80x128xf32, #tpu.memory_space<vmem>>, vector<1x16xf32>,
        %get3A_154 = vector.shape_cast %get3A_153 : vector<1x16xf32> to vector<16xf32>
        %add3A_155 = arith.addf %get3A_154, %mul3A_147 : vector<16xf32>
        %max3A_156 = arith.maximumf %add3A_155, %broadcast_in_dim3A_44 : vector<16xf32>
        %swap3A_157 = arith.index_cast %scan3A_112 : i32 to index
        %swap3A_158 = arith.constant 32 : index
        %swap3A_159 = tpu.vector_load %arg10[%swap3A_157, %swap3A_158] {strides = array<i32>} : memref<80x128xf32, #tpu.memory_space<vmem>>, vector<1x16xf32>,
        %swap3A_160 = vector.shape_cast %swap3A_159 : vector<1x16xf32> to vector<16xf32>
        %swap3A_161 = vector.shape_cast %max3A_156 : vector<16xf32> to vector<1x16xf32>
        tpu.vector_store %arg10[%swap3A_157, %swap3A_158], %swap3A_161 {strides = array<i32>} : memref<80x128xf32, #tpu.memory_space<vmem>>, vector<1x16xf32>,
        %get3A_162 = arith.index_cast %scan3A_112 : i32 to index
        %get3A_163 = arith.constant 48 : index
        %get3A_164 = tpu.vector_load %arg10[%get3A_162, %get3A_163] {strides = array<i32>} : memref<80x128xf32, #tpu.memory_space<vmem>>, vector<1x16xf32>,
        %get3A_165 = vector.shape_cast %get3A_164 : vector<1x16xf32> to vector<16xf32>
        %add3A_166 = arith.addf %get3A_165, %mul3A_150 : vector<16xf32>
        %max3A_167 = arith.maximumf %add3A_166, %broadcast_in_dim3A_44 : vector<16xf32>
        %swap3A_168 = arith.index_cast %scan3A_112 : i32 to index
        %swap3A_169 = arith.constant 48 : index
        %swap3A_170 = tpu.vector_load %arg10[%swap3A_168, %swap3A_169] {strides = array<i32>} : memref<80x128xf32, #tpu.memory_space<vmem>>, vector<1x16xf32>,
        %swap3A_171 = vector.shape_cast %swap3A_170 : vector<1x16xf32> to vector<16xf32>
        %swap3A_172 = vector.shape_cast %max3A_167 : vector<16xf32> to vector<1x16xf32>
        tpu.vector_store %arg10[%swap3A_168, %swap3A_169], %swap3A_172 {strides = array<i32>} : memref<80x128xf32, #tpu.memory_space<vmem>>, vector<1x16xf32>,
        %get3A_173 = arith.index_cast %scan3A_112 : i32 to index
        %get3A_174 = arith.constant 32 : index
        %get3A_175 = tpu.vector_load %arg12[%get3A_173, %get3A_174] {strides = array<i32>} : memref<80x64xi32, #tpu.memory_space<vmem>>, vector<1x16xi32>,
        %get3A_176 = vector.shape_cast %get3A_175 : vector<1x16xi32> to vector<16xi32>
        %shift_left3A_177 = arith.shli %get3A_176, %broadcast_in_dim3A_40 : vector<16xi32>
        %shift_right_arithmetic3A_178 = arith.shrsi %shift_left3A_177, %broadcast_in_dim3A_40 : vector<16xi32>
        %convert_element_type3A_179 = arith.sitofp %shift_right_arithmetic3A_178 : vector<16xi32> to vector<16xf32>
        %mul3A_180 = arith.mulf %convert_element_type3A_179, %broadcast_in_dim3A_42 : vector<16xf32>
        %shift_right_arithmetic3A_181 = arith.shrsi %get3A_176, %broadcast_in_dim3A_40 : vector<16xi32>
        %convert_element_type3A_182 = arith.sitofp %shift_right_arithmetic3A_181 : vector<16xi32> to vector<16xf32>
        %mul3A_183 = arith.mulf %convert_element_type3A_182, %broadcast_in_dim3A_42 : vector<16xf32>
        %get3A_184 = arith.index_cast %scan3A_112 : i32 to index
        %get3A_185 = arith.constant 64 : index
        %get3A_186 = tpu.vector_load %arg10[%get3A_184, %get3A_185] {strides = array<i32>} : memref<80x128xf32, #tpu.memory_space<vmem>>, vector<1x16xf32>,
        %get3A_187 = vector.shape_cast %get3A_186 : vector<1x16xf32> to vector<16xf32>
        %add3A_188 = arith.addf %get3A_187, %mul3A_180 : vector<16xf32>
        %max3A_189 = arith.maximumf %add3A_188, %broadcast_in_dim3A_44 : vector<16xf32>
        %swap3A_190 = arith.index_cast %scan3A_112 : i32 to index
        %swap3A_191 = arith.constant 64 : index
        %swap3A_192 = tpu.vector_load %arg10[%swap3A_190, %swap3A_191] {strides = array<i32>} : memref<80x128xf32, #tpu.memory_space<vmem>>, vector<1x16xf32>,
        %swap3A_193 = vector.shape_cast %swap3A_192 : vector<1x16xf32> to vector<16xf32>
        %swap3A_194 = vector.shape_cast %max3A_189 : vector<16xf32> to vector<1x16xf32>
        tpu.vector_store %arg10[%swap3A_190, %swap3A_191], %swap3A_194 {strides = array<i32>} : memref<80x128xf32, #tpu.memory_space<vmem>>, vector<1x16xf32>,
        %get3A_195 = arith.index_cast %scan3A_112 : i32 to index
        %get3A_196 = arith.constant 80 : index
        %get3A_197 = tpu.vector_load %arg10[%get3A_195, %get3A_196] {strides = array<i32>} : memref<80x128xf32, #tpu.memory_space<vmem>>, vector<1x16xf32>,
        %get3A_198 = vector.shape_cast %get3A_197 : vector<1x16xf32> to vector<16xf32>
        %add3A_199 = arith.addf %get3A_198, %mul3A_183 : vector<16xf32>
        %max3A_200 = arith.maximumf %add3A_199, %broadcast_in_dim3A_44 : vector<16xf32>
        %swap3A_201 = arith.index_cast %scan3A_112 : i32 to index
        %swap3A_202 = arith.constant 80 : index
        %swap3A_203 = tpu.vector_load %arg10[%swap3A_201, %swap3A_202] {strides = array<i32>} : memref<80x128xf32, #tpu.memory_space<vmem>>, vector<1x16xf32>,
        %swap3A_204 = vector.shape_cast %swap3A_203 : vector<1x16xf32> to vector<16xf32>
        %swap3A_205 = vector.shape_cast %max3A_200 : vector<16xf32> to vector<1x16xf32>
        tpu.vector_store %arg10[%swap3A_201, %swap3A_202], %swap3A_205 {strides = array<i32>} : memref<80x128xf32, #tpu.memory_space<vmem>>, vector<1x16xf32>,
        %get3A_206 = arith.index_cast %scan3A_112 : i32 to index
        %get3A_207 = arith.constant 48 : index
        %get3A_208 = tpu.vector_load %arg12[%get3A_206, %get3A_207] {strides = array<i32>} : memref<80x64xi32, #tpu.memory_space<vmem>>, vector<1x16xi32>,
        %get3A_209 = vector.shape_cast %get3A_208 : vector<1x16xi32> to vector<16xi32>
        %shift_left3A_210 = arith.shli %get3A_209, %broadcast_in_dim3A_40 : vector<16xi32>
        %shift_right_arithmetic3A_211 = arith.shrsi %shift_left3A_210, %broadcast_in_dim3A_40 : vector<16xi32>
        %convert_element_type3A_212 = arith.sitofp %shift_right_arithmetic3A_211 : vector<16xi32> to vector<16xf32>
        %mul3A_213 = arith.mulf %convert_element_type3A_212, %broadcast_in_dim3A_42 : vector<16xf32>
        %shift_right_arithmetic3A_214 = arith.shrsi %get3A_209, %broadcast_in_dim3A_40 : vector<16xi32>
        %convert_element_type3A_215 = arith.sitofp %shift_right_arithmetic3A_214 : vector<16xi32> to vector<16xf32>
        %mul3A_216 = arith.mulf %convert_element_type3A_215, %broadcast_in_dim3A_42 : vector<16xf32>
        %get3A_217 = arith.index_cast %scan3A_112 : i32 to index
        %get3A_218 = arith.constant 96 : index
        %get3A_219 = tpu.vector_load %arg10[%get3A_217, %get3A_218] {strides = array<i32>} : memref<80x128xf32, #tpu.memory_space<vmem>>, vector<1x16xf32>,
        %get3A_220 = vector.shape_cast %get3A_219 : vector<1x16xf32> to vector<16xf32>
        %add3A_221 = arith.addf %get3A_220, %mul3A_213 : vector<16xf32>
        %max3A_222 = arith.maximumf %add3A_221, %broadcast_in_dim3A_44 : vector<16xf32>
        %swap3A_223 = arith.index_cast %scan3A_112 : i32 to index
        %swap3A_224 = arith.constant 96 : index
        %swap3A_225 = tpu.vector_load %arg10[%swap3A_223, %swap3A_224] {strides = array<i32>} : memref<80x128xf32, #tpu.memory_space<vmem>>, vector<1x16xf32>,
        %swap3A_226 = vector.shape_cast %swap3A_225 : vector<1x16xf32> to vector<16xf32>
        %swap3A_227 = vector.shape_cast %max3A_222 : vector<16xf32> to vector<1x16xf32>
        tpu.vector_store %arg10[%swap3A_223, %swap3A_224], %swap3A_227 {strides = array<i32>} : memref<80x128xf32, #tpu.memory_space<vmem>>, vector<1x16xf32>,
        %get3A_228 = arith.index_cast %scan3A_112 : i32 to index
        %get3A_229 = arith.constant 112 : index
        %get3A_230 = tpu.vector_load %arg10[%get3A_228, %get3A_229] {strides = array<i32>} : memref<80x128xf32, #tpu.memory_space<vmem>>, vector<1x16xf32>,
        %get3A_231 = vector.shape_cast %get3A_230 : vector<1x16xf32> to vector<16xf32>
        %add3A_232 = arith.addf %get3A_231, %mul3A_216 : vector<16xf32>
        %max3A_233 = arith.maximumf %add3A_232, %broadcast_in_dim3A_44 : vector<16xf32>
        %swap3A_234 = arith.index_cast %scan3A_112 : i32 to index
        %swap3A_235 = arith.constant 112 : index
        %swap3A_236 = tpu.vector_load %arg10[%swap3A_234, %swap3A_235] {strides = array<i32>} : memref<80x128xf32, #tpu.memory_space<vmem>>, vector<1x16xf32>,
        %swap3A_237 = vector.shape_cast %swap3A_236 : vector<1x16xf32> to vector<16xf32>
        %swap3A_238 = vector.shape_cast %max3A_233 : vector<16xf32> to vector<1x16xf32>
        tpu.vector_store %arg10[%swap3A_234, %swap3A_235], %swap3A_238 {strides = array<i32>} : memref<80x128xf32, #tpu.memory_space<vmem>>, vector<1x16xf32>,
      }
      %scan3A_109 = arith.constant 80 : i32
      %dma_wait3A_110 = tpu.memref_slice %arg5[%add3A_95] : memref<320000xi32, #tpu.memory_space<hbm>> -> memref<80xi32, #tpu.memory_space<hbm>>
      %dma_wait3A_111 = tpu.memref_slice %arg5[%add3A_95] : memref<320000xi32, #tpu.memory_space<hbm>> -> memref<80xi32, #tpu.memory_space<hbm>>
      tpu.wait_dma2 semaphore(%arg15 : memref<!tpu.dma_semaphore, #tpu.memory_space<semaphore_mem>>) src(%dma_wait3A_111 : memref<80xi32, #tpu.memory_space<hbm>>) dst(%arg8 : memref<80xi32, #tpu.memory_space<vmem>>)
      "tpu.region"() ({
        %run_scoped3A = tpu.sem_alloc : memref<!tpu.dma_semaphore, #tpu.memory_space<semaphore_mem>>
        %dma_start3A_112 = arith.constant 0 : i32
        %dma_start3A_113 = arith.constant 0 : i32
        %dma_start3A_114 = tpu.memref_slice %arg14[%dma_start3A_112, %dma_start3A_113] : memref<10240x128xf32, #tpu.memory_space<vmem_shared>> -> memref<10240x128xf32, #tpu.memory_space<vmem_shared>>
        tpu.enqueue_indirect_dma source(%arg10 : memref<80x128xf32, #tpu.memory_space<vmem>>) target(%dma_start3A_114 : memref<10240x128xf32, #tpu.memory_space<vmem_shared>>) offsets(%arg8 : memref<80xi32, #tpu.memory_space<vmem>>) semaphore(%run_scoped3A : memref<!tpu.dma_semaphore, #tpu.memory_space<semaphore_mem>>) {add = true}
        %dma_wait3A_115 = arith.constant 0 : i32
        %dma_wait3A_116 = arith.constant 0 : i32
        %dma_wait3A_117 = tpu.memref_slice %arg14[%dma_wait3A_115, %dma_wait3A_116] : memref<10240x128xf32, #tpu.memory_space<vmem_shared>> -> memref<10240x128xf32, #tpu.memory_space<vmem_shared>>
        tpu.wait_indirect_dma semaphore(%run_scoped3A : memref<!tpu.dma_semaphore, #tpu.memory_space<semaphore_mem>>) src(%arg10 : memref<80x128xf32, #tpu.memory_space<vmem>>) dst(%dma_wait3A_117 : memref<10240x128xf32, #tpu.memory_space<vmem_shared>>)
        tpu.yield
      }) : () -> ()
    }
    %scan3A_50 = arith.constant 5 : i32
    %barrier3A_51 = arith.constant 0 : index
    tpu.barrier barrier_id(%barrier3A_51)
    %mul3A_52 = arith.constant 640 : i32
    %mul3A_53 = arith.muli %arg1, %mul3A_52 : i32
    "tpu.region"() ({
      %run_scoped3A = tpu.sem_alloc : memref<!tpu.dma_semaphore, #tpu.memory_space<semaphore_mem>>
      %dma_start3A = arith.constant 0 : i32
      %dma_start3A_54 = tpu.memref_slice %arg6[%arg0, %mul3A_53, %dma_start3A] : memref<2x10240x128xf32, #tpu.memory_space<hbm>> -> memref<1x640x128xf32, #tpu.memory_space<hbm>>
      %dma_start3A_55 = tpu.memref_squeeze %dma_start3A_54 : memref<1x640x128xf32, #tpu.memory_space<hbm>> -> memref<640x128xf32, #tpu.memory_space<hbm>>
      %dma_start3A_56 = arith.constant 0 : i32
      %dma_start3A_57 = tpu.memref_slice %arg14[%mul3A_53, %dma_start3A_56] : memref<10240x128xf32, #tpu.memory_space<vmem_shared>> -> memref<640x128xf32, #tpu.memory_space<vmem_shared>>
      tpu.enqueue_dma source(%dma_start3A_57 : memref<640x128xf32, #tpu.memory_space<vmem_shared>>) target(%dma_start3A_55 : memref<640x128xf32, #tpu.memory_space<hbm>>) target_semaphore(%run_scoped3A : memref<!tpu.dma_semaphore, #tpu.memory_space<semaphore_mem>>)
      %dma_wait3A = arith.constant 0 : i32
      %dma_wait3A_58 = tpu.memref_slice %arg6[%arg0, %mul3A_53, %dma_wait3A] : memref<2x10240x128xf32, #tpu.memory_space<hbm>> -> memref<1x640x128xf32, #tpu.memory_space<hbm>>
      %dma_wait3A_59 = tpu.memref_squeeze %dma_wait3A_58 : memref<1x640x128xf32, #tpu.memory_space<hbm>> -> memref<640x128xf32, #tpu.memory_space<hbm>>
      %dma_wait3A_60 = arith.constant 0 : i32
      %dma_wait3A_61 = tpu.memref_slice %arg14[%mul3A_53, %dma_wait3A_60] : memref<10240x128xf32, #tpu.memory_space<vmem_shared>> -> memref<640x128xf32, #tpu.memory_space<vmem_shared>>
      tpu.wait_dma2 semaphore(%run_scoped3A : memref<!tpu.dma_semaphore, #tpu.memory_space<semaphore_mem>>) src(%dma_wait3A_61 : memref<640x128xf32, #tpu.memory_space<vmem_shared>>) dst(%dma_wait3A_59 : memref<640x128xf32, #tpu.memory_space<hbm>>)
      tpu.yield
    }) : () -> ()
    return
  }
}

module attributes {stable_mosaic.version = 14 : i64} {
  func.func @_em_body(%arg0: i32, %arg1: memref<16x16000xf32, #tpu.memory_space<vmem>>, %arg2: memref<16x128xf32, #tpu.memory_space<vmem>>, %arg3: memref<16000x64xi32, #tpu.memory_space<vmem>>) attributes {dimension_semantics = [#tpu.dimension_semantics<arbitrary>], iteration_bounds = array<i64: 20>, scalar_prefetch = 0 : i64, scratch_operands = 0 : i64, tpu.core_type = #tpu.core_type<tc>, window_params = [{transform_indices = @transform_0, window_bounds = array<i64: 16, 16000>}, {pipeline_mode = #tpu.pipeline_mode<synchronous>, transform_indices = @transform_1, window_bounds = array<i64: 16, 128>}, {transform_indices = @transform_2, window_bounds = array<i64: 16000, 64>}]} {
    %get3A = arith.constant 0 : index
    %get3A_0 = arith.constant 0 : index
    %get3A_1 = vector.load %arg1[%get3A, %get3A_0] : memref<16x16000xf32, #tpu.memory_space<vmem>>, vector<16x16000xf32>
    %get3A_2 = arith.constant 0 : index
    %get3A_3 = arith.constant 0 : index
    %get3A_4 = vector.load %arg2[%get3A_2, %get3A_3] : memref<16x128xf32, #tpu.memory_space<vmem>>, vector<16x64xf32>
    %dot_general3A = arith.constant dense<0.000000e+00> : vector<16000x64xf32>
    %dot_general3A_5 = tpu.matmul %get3A_1, %get3A_4, %dot_general3A {dimension_numbers = #tpu.dot_dimension_numbers<[0], [0], [1], [1], [0, 1, 1, 1], [], []>, transpose_lhs_hint = false} : vector<16x16000xf32>, vector<16x64xf32>, vector<16000x64xf32> -> vector<16000x64xf32>
    %get3A_6 = arith.constant 0 : index
    %get3A_7 = arith.constant 0 : index
    %get3A_8 = vector.load %arg1[%get3A_6, %get3A_7] : memref<16x16000xf32, #tpu.memory_space<vmem>>, vector<16x16000xf32>
    %get3A_9 = arith.constant 0 : index
    %get3A_10 = arith.constant 64 : index
    %get3A_11 = vector.load %arg2[%get3A_9, %get3A_10] : memref<16x128xf32, #tpu.memory_space<vmem>>, vector<16x64xf32>
    %dot_general3A_12 = arith.constant dense<0.000000e+00> : vector<16000x64xf32>
    %dot_general3A_13 = tpu.matmul %get3A_8, %get3A_11, %dot_general3A_12 {dimension_numbers = #tpu.dot_dimension_numbers<[0], [0], [1], [1], [0, 1, 1, 1], [], []>, transpose_lhs_hint = false} : vector<16x16000xf32>, vector<16x64xf32>, vector<16000x64xf32> -> vector<16000x64xf32>
    %mul3A = arith.constant 1.024000e+03 : f32
    %mul3A_14 = vector.broadcast %mul3A : f32 to vector<16000x64xf32>
    %mul3A_15 = arith.mulf %dot_general3A_5, %mul3A_14 : vector<16000x64xf32>
    %convert_element_type3A = arith.fptosi %mul3A_15 : vector<16000x64xf32> to vector<16000x64xi32>
    %mul3A_16 = arith.constant 1.024000e+03 : f32
    %mul3A_17 = vector.broadcast %mul3A_16 : f32 to vector<16000x64xf32>
    %mul3A_18 = arith.mulf %dot_general3A_13, %mul3A_17 : vector<16000x64xf32>
    %convert_element_type3A_19 = arith.fptosi %mul3A_18 : vector<16000x64xf32> to vector<16000x64xi32>
    %and3A = arith.constant 65535 : i32
    %and3A_20 = vector.broadcast %and3A : i32 to vector<16000x64xi32>
    %and3A_21 = arith.andi %convert_element_type3A, %and3A_20 : vector<16000x64xi32>
    %shift_left3A = arith.constant 16 : i32
    %shift_left3A_22 = vector.broadcast %shift_left3A : i32 to vector<16000x64xi32>
    %shift_left3A_23 = arith.shli %convert_element_type3A_19, %shift_left3A_22 : vector<16000x64xi32>
    %or3A = arith.ori %and3A_21, %shift_left3A_23 : vector<16000x64xi32>
    %swap3A = arith.constant 0 : index
    %swap3A_24 = arith.constant 0 : index
    %swap3A_25 = vector.load %arg3[%swap3A, %swap3A_24] : memref<16000x64xi32, #tpu.memory_space<vmem>>, vector<16000x64xi32>
    tpu.vector_store %arg3[%swap3A, %swap3A_24], %or3A {strides = array<i32>} : memref<16000x64xi32, #tpu.memory_space<vmem>>, vector<16000x64xi32>,
    return
  }
  func.func @transform_0(%arg0: i32) -> (i32, i32) {
    %c0_i32 = arith.constant 0 : i32
    %c0_i32_0 = arith.constant 0 : i32
    return %c0_i32, %arg0 : i32, i32
  }
  func.func @transform_1(%arg0: i32) -> (i32, i32) {
    %c0_i32 = arith.constant 0 : i32
    %c0_i32_0 = arith.constant 0 : i32
    %c0_i32_1 = arith.constant 0 : i32
    return %c0_i32, %c0_i32_0 : i32, i32
  }
  func.func @transform_2(%arg0: i32) -> (i32, i32) {
    %c0_i32 = arith.constant 0 : i32
    %c0_i32_0 = arith.constant 0 : i32
    return %arg0, %c0_i32 : i32, i32
  }
}

module attributes {stable_mosaic.version = 14 : i64} {
  func.func @_xm_body(%arg0: memref<10000x128xf32, #tpu.memory_space<vmem>>, %arg1: memref<128x128xf32, #tpu.memory_space<vmem>>, %arg2: memref<1x128xf32, #tpu.memory_space<vmem>>, %arg3: memref<10000x128xf32, #tpu.memory_space<vmem>>) attributes {dimension_semantics = [], scalar_prefetch = 0 : i64, scratch_operands = 0 : i64, tpu.core_type = #tpu.core_type<tc>} {
    %get3A = arith.constant 0 : index
    %get3A_0 = arith.constant 0 : index
    %get3A_1 = vector.load %arg0[%get3A, %get3A_0] : memref<10000x128xf32, #tpu.memory_space<vmem>>, vector<10000x128xf32>
    %get3A_2 = arith.constant 0 : index
    %get3A_3 = arith.constant 0 : index
    %get3A_4 = vector.load %arg1[%get3A_2, %get3A_3] : memref<128x128xf32, #tpu.memory_space<vmem>>, vector<128x128xf32>
    %dot_general3A = arith.constant dense<0.000000e+00> : vector<10000x128xf32>
    %dot_general3A_5 = tpu.matmul %get3A_1, %get3A_4, %dot_general3A {dimension_numbers = #tpu.dot_dimension_numbers<[1], [0], [0], [1], [0, 0, 1, 1], [], []>, transpose_lhs_hint = false} : vector<10000x128xf32>, vector<128x128xf32>, vector<10000x128xf32> -> vector<10000x128xf32>
    %get3A_6 = arith.constant 0 : index
    %get3A_7 = arith.constant 0 : index
    %get3A_8 = vector.load %arg2[%get3A_6, %get3A_7] : memref<1x128xf32, #tpu.memory_space<vmem>>, vector<1x128xf32>
    %add3A = vector.broadcast %get3A_8 : vector<1x128xf32> to vector<10000x128xf32>
    %add3A_9 = arith.addf %dot_general3A_5, %add3A : vector<10000x128xf32>
    %swap3A = arith.constant 0 : index
    %swap3A_10 = arith.constant 0 : index
    %swap3A_11 = vector.load %arg3[%swap3A, %swap3A_10] : memref<10000x128xf32, #tpu.memory_space<vmem>>, vector<10000x128xf32>
    tpu.vector_store %arg3[%swap3A, %swap3A_10], %add3A_9 {strides = array<i32>} : memref<10000x128xf32, #tpu.memory_space<vmem>>, vector<10000x128xf32>,
    return
  }
}

module attributes {stable_mosaic.version = 14 : i64} {
  func.func @_upd_body(%arg0: i32, %arg1: memref<2000x128xf32, #tpu.memory_space<vmem>>, %arg2: memref<2x2000x128xf32, #tpu.memory_space<vmem>>, %arg3: memref<128x128xf32, #tpu.memory_space<vmem>>, %arg4: memref<128x128xf32, #tpu.memory_space<vmem>>, %arg5: memref<1x128xf32, #tpu.memory_space<vmem>>, %arg6: memref<2000x128xf32, #tpu.memory_space<vmem>>) attributes {dimension_semantics = [#tpu.dimension_semantics<arbitrary>], iteration_bounds = array<i64: 5>, scalar_prefetch = 0 : i64, scratch_operands = 0 : i64, tpu.core_type = #tpu.core_type<tc>, window_params = [{transform_indices = @transform_0, window_bounds = array<i64: 2000, 128>}, {transform_indices = @transform_1, window_bounds = array<i64: 2, 2000, 128>}, {pipeline_mode = #tpu.pipeline_mode<synchronous>, transform_indices = @transform_2, window_bounds = array<i64: 128, 128>}, {pipeline_mode = #tpu.pipeline_mode<synchronous>, transform_indices = @transform_3, window_bounds = array<i64: 128, 128>}, {pipeline_mode = #tpu.pipeline_mode<synchronous>, transform_indices = @transform_4, window_bounds = array<i64: 1, 128>}, {transform_indices = @transform_5, window_bounds = array<i64: 2000, 128>}]} {
    %get3A = arith.constant 0 : index
    %get3A_0 = arith.constant 0 : index
    %get3A_1 = arith.constant 0 : index
    %get3A_2 = vector.load %arg2[%get3A, %get3A_0, %get3A_1] : memref<2x2000x128xf32, #tpu.memory_space<vmem>>, vector<1x2000x128xf32>
    %get3A_3 = vector.shape_cast %get3A_2 : vector<1x2000x128xf32> to vector<2000x128xf32>
    %get3A_4 = arith.constant 1 : index
    %get3A_5 = arith.constant 0 : index
    %get3A_6 = arith.constant 0 : index
    %get3A_7 = vector.load %arg2[%get3A_4, %get3A_5, %get3A_6] : memref<2x2000x128xf32, #tpu.memory_space<vmem>>, vector<1x2000x128xf32>
    %get3A_8 = vector.shape_cast %get3A_7 : vector<1x2000x128xf32> to vector<2000x128xf32>
    %add3A = arith.addf %get3A_3, %get3A_8 : vector<2000x128xf32>
    %get3A_9 = arith.constant 0 : index
    %get3A_10 = arith.constant 0 : index
    %get3A_11 = vector.load %arg1[%get3A_9, %get3A_10] : memref<2000x128xf32, #tpu.memory_space<vmem>>, vector<2000x128xf32>
    %get3A_12 = arith.constant 0 : index
    %get3A_13 = arith.constant 0 : index
    %get3A_14 = vector.load %arg3[%get3A_12, %get3A_13] : memref<128x128xf32, #tpu.memory_space<vmem>>, vector<128x128xf32>
    %dot_general3A = arith.constant dense<0.000000e+00> : vector<2000x128xf32>
    %dot_general3A_15 = tpu.matmul %get3A_11, %get3A_14, %dot_general3A {dimension_numbers = #tpu.dot_dimension_numbers<[1], [0], [0], [1], [0, 0, 1, 1], [], []>, transpose_lhs_hint = false} : vector<2000x128xf32>, vector<128x128xf32>, vector<2000x128xf32> -> vector<2000x128xf32>
    %get3A_16 = arith.constant 0 : index
    %get3A_17 = arith.constant 0 : index
    %get3A_18 = vector.load %arg4[%get3A_16, %get3A_17] : memref<128x128xf32, #tpu.memory_space<vmem>>, vector<128x128xf32>
    %dot_general3A_19 = arith.constant dense<0.000000e+00> : vector<2000x128xf32>
    %dot_general3A_20 = tpu.matmul %add3A, %get3A_18, %dot_general3A_19 {dimension_numbers = #tpu.dot_dimension_numbers<[1], [0], [0], [1], [0, 0, 1, 1], [], []>, transpose_lhs_hint = false} : vector<2000x128xf32>, vector<128x128xf32>, vector<2000x128xf32> -> vector<2000x128xf32>
    %add3A_21 = arith.addf %dot_general3A_15, %dot_general3A_20 : vector<2000x128xf32>
    %get3A_22 = arith.constant 0 : index
    %get3A_23 = arith.constant 0 : index
    %get3A_24 = vector.load %arg5[%get3A_22, %get3A_23] : memref<1x128xf32, #tpu.memory_space<vmem>>, vector<1x128xf32>
    %add3A_25 = vector.broadcast %get3A_24 : vector<1x128xf32> to vector<2000x128xf32>
    %add3A_26 = arith.addf %add3A_21, %add3A_25 : vector<2000x128xf32>
    %max3A = arith.constant 0.000000e+00 : f32
    %max3A_27 = vector.broadcast %max3A : f32 to vector<2000x128xf32>
    %max3A_28 = arith.maximumf %add3A_26, %max3A_27 : vector<2000x128xf32>
    %swap3A = arith.constant 0 : index
    %swap3A_29 = arith.constant 0 : index
    %swap3A_30 = vector.load %arg6[%swap3A, %swap3A_29] : memref<2000x128xf32, #tpu.memory_space<vmem>>, vector<2000x128xf32>
    tpu.vector_store %arg6[%swap3A, %swap3A_29], %max3A_28 {strides = array<i32>} : memref<2000x128xf32, #tpu.memory_space<vmem>>, vector<2000x128xf32>,
    return
  }
  func.func @transform_0(%arg0: i32) -> (i32, i32) {
    %c0_i32 = arith.constant 0 : i32
    %c0_i32_0 = arith.constant 0 : i32
    return %arg0, %c0_i32 : i32, i32
  }
  func.func @transform_1(%arg0: i32) -> (i32, i32, i32) {
    %c0_i32 = arith.constant 0 : i32
    %c0_i32_0 = arith.constant 0 : i32
    %c0_i32_1 = arith.constant 0 : i32
    return %c0_i32, %arg0, %c0_i32_0 : i32, i32, i32
  }
  func.func @transform_2(%arg0: i32) -> (i32, i32) {
    %c0_i32 = arith.constant 0 : i32
    %c0_i32_0 = arith.constant 0 : i32
    %c0_i32_1 = arith.constant 0 : i32
    return %c0_i32, %c0_i32_0 : i32, i32
  }
  func.func @transform_3(%arg0: i32) -> (i32, i32) {
    %c0_i32 = arith.constant 0 : i32
    %c0_i32_0 = arith.constant 0 : i32
    %c0_i32_1 = arith.constant 0 : i32
    return %c0_i32, %c0_i32_0 : i32, i32
  }
  func.func @transform_4(%arg0: i32) -> (i32, i32) {
    %c0_i32 = arith.constant 0 : i32
    %c0_i32_0 = arith.constant 0 : i32
    %c0_i32_1 = arith.constant 0 : i32
    return %c0_i32, %c0_i32_0 : i32, i32
  }
  func.func @transform_5(%arg0: i32) -> (i32, i32) {
    %c0_i32 = arith.constant 0 : i32
    %c0_i32_0 = arith.constant 0 : i32
    return %arg0, %c0_i32 : i32, i32
  }
}

</mosaic_0001>

<sc_bundles>
// kernel: _run.6.cloned.1.call-start
scs
__scs_entry_jumppad:
0x0: {  	(pc) =	sbr.rel $0x88, $3  }
0x1: {  	(tag) =	ssettag $0x0;
	lr =	simm.s32 $0x1  }
0x2: {  	[smem:$0x3F99] =	sst lr;
	_ =	strace $0xD0000000  }
0x3: {  	_ = 	snop  }
0x4: {  	_ = 	snop  }
0x5: {  	_ = 	snop  }
0x6: {  	_ = 	snop  }
0x7: {  	_ = 	snop  }
__scs_overlays_trampoline_lowered:
0x8: {  	[smem:$0x3FA8] =	sst s0  }
0x9: {  	[smem:$0x3FA9] =	sst s1  }
0xa: {  	[smem:$0x3FAA] =	sst s2  }
0xb: {  	[smem:$0x3FAB] =	sst s3  }
0xc: {  	[smem:$0x3FAC] =	sst s4  }
0xd: {  	[smem:$0x3FAD] =	sst s5  }
0xe: {  	[smem:$0x3FAE] =	sst s6  }
0xf: {  	[smem:$0x3FAF] =	sst s7  }
0x10: {  	[smem:$0x3FB0] =	sst s8  }
0x11: {  	[smem:$0x3FB1] =	sst s9;
	s0 =	simm.s32 @!p0 $0x0  }
0x12: {  	s1 =	sld [smem:$0x3F97];
	s0 =	simm.s32 @p0 $0x1  }
0x13: {  	[smem:$0x3FB2] =	sst s0;
	s0 =	simm.s32 @!p1 $0x0  }
0x14: {  	s2 =	sld [smem:$0x3F96];
	s0 =	simm.s32 @p1 $0x1  }
0x15: {  	[smem:$0x3FB3] =	sst s0;
	s0 =	simm.s32 @!p2 $0x0  }
0x16: {  	s3 =	sld [smem:$0x3FDB];
	s0 =	simm.s32 @p2 $0x1  }
0x17: {  	s4 =	simm.s32 $0x1BF5;
	[smem:$0x3FB5] =	sst s0  }
0x18: {  	s0 =	sld [smem:$0x3F98];
	_ =	swait.ge [sflag:s4], $0x0  }
0x19: {  	s7 =	sld [smem:$0x3F99]  }
0x1a: {  	s8 =	sadd.s32 $0xFFFFE003, lr  }
0x1b: {  	s9 =	sadd.s32 $0xFFFFFEF7, lr;
	s5 =	simm.s32 $0xFFFFFFFF;
	p2 =	slt.u32 s8, $0xFFFFF086  }
0x1c: {  	p1 =	slt.u32 s9, $0xF7A;
	s5 =	simm.s32 @!p2 $0x0  }
0x1d: {  	s5 =	simm.s32 @p1 $0x1;
	p0 =	seq.s32 s7, s2  }
0x1e: {  	s7 =	smul.u32 @!p0 $0xF7A, s2;
	p2 =	seq.s32 @!p0 s5, $0x0  }
0x1f: {  	s9 =	smul.u32 $0xF7A, s1;
	s8 =	simm.s32 @!p0 $0x1BF5;
	p2 =	por !p2, p0  }
0x20: {  	[sflag:s8] =	ssyncset.s32 @!p0 $0xFFFFF086;
	s6 =	sadd.s32 @!p0 s3, s7;
	s7 =	simm.s32 @!p0 $0x108  }
0x21: {  	s3 =	sadd.s32 s3, s9;
	s6 =	sadd.s32 @!p0 $0x88, s6;
	s7 =	simm.s32 @p2 $0x1082  }
0x22: {  	[simem:s7], [sflag:s8] =	dma.local @!p0 [hbm:s6], $0xF7A  }
0x23: {  	s9 =	sor.u32 $0xD0000000, s2;
	s6 =	simm.s32 $0x108;
	_ =	swait.ge @!p0 [sflag:s8], $0x0  }
0x24: {  	s3 =	sadd.s32 $0x88, s3;
	s6 =	simm.s32 @!p1 $0x1082;
	[sflag:s4] =	ssyncset.s32 $0xFFFFF086  }
0x25: {  	[simem:s6], [sflag:s4] =	dma.local [hbm:s3], $0xF7A  }
0x26: {  	[smem:$0x3F99] =	sst s1;
	(tag) =	ssettag s2;
	_ =	strace s9  }
0x27: {  	s1 =	sld [smem:$0x3FA9]  }
0x28: {  	s2 =	sld [smem:$0x3FAA]  }
0x29: {  	s4 =	sld [smem:$0x3FAC]  }
0x2a: {  	p0 =	seq.s32 s5, $0x0;
	s5 =	sld [smem:$0x3FAD]  }
0x2b: {  	s6 =	sld [smem:$0x3FAE]  }
0x2c: {  	s7 =	sld [smem:$0x3FAF]  }
0x2d: {  	s3 =	simm.s32 $0x108;
	s8 =	sld [smem:$0x3FB0]  }
0x2e: {  	s3 =	simm.s32 @!p0 $0x1082;
	s9 =	sld [smem:$0x3FB1]  }
0x2f: {  	lr =	sadd.s32 s0, s3;
	s0 =	sld [smem:$0x3FA8]  }
0x30: {  	s3 =	sld [smem:$0x3FAB]  }
0x31: {  	[smem:$0x3FB4] =	sst s10  }
0x32: {  	s10 =	sld [smem:$0x3FB2];
	_ =	sdelay $0x3  }
0x33: {  	p0 =	seq.s32 s10, $0x1;
	s10 =	sld [smem:$0x3FB4];
	_ =	sdelay $0x3  }
0x34: {  	[smem:$0x3FB4] =	sst s10  }
0x35: {  	s10 =	sld [smem:$0x3FB3];
	_ =	sdelay $0x3  }
0x36: {  	p1 =	seq.s32 s10, $0x1;
	s10 =	sld [smem:$0x3FB4];
	_ =	sdelay $0x3  }
0x37: {  	[smem:$0x3FB4] =	sst s10  }
0x38: {  	s10 =	sld [smem:$0x3FB5]  }
0x39: {  	_ = 	snop;
	(pc) =	sbr.ind lr, $3  }
0x3a: {  	_ = 	snop  }
0x3b: {  	_ = 	snop  }
0x3c: {  	p2 =	seq.s32 s10, $0x1;
	s10 =	sld [smem:$0x3FB4]  }
0x3d: {  	_ =	shalt  }
0x3e: {  	_ =	shalt  }
0x3f: {  	_ =	shalt  }
0x40: {  	_ =	shalt  }
0x41: {  	_ =	shalt  }
0x42: {  	_ =	shalt  }
0x43: {  	_ =	shalt  }
0x44: {  	_ =	shalt  }
0x45: {  	_ =	shalt  }
0x46: {  	_ =	shalt  }
0x47: {  	_ =	shalt  }
0x48: {  	_ =	shalt  }
0x49: {  	_ =	shalt  }
0x4a: {  	_ =	shalt  }
0x4b: {  	_ =	shalt  }
0x4c: {  	_ =	shalt  }
0x4d: {  	_ =	shalt  }
0x4e: {  	_ =	shalt  }
0x4f: {  	_ =	shalt  }
0x50: {  	_ =	shalt  }
0x51: {  	_ =	shalt  }
0x52: {  	_ =	shalt  }
0x53: {  	_ =	shalt  }
0x54: {  	_ =	shalt  }
0x55: {  	_ =	shalt  }
0x56: {  	_ =	shalt  }
0x57: {  	_ =	shalt  }
0x58: {  	_ =	shalt  }
0x59: {  	_ =	shalt  }
0x5a: {  	_ =	shalt  }
0x5b: {  	_ =	shalt  }
0x5c: {  	_ =	shalt  }
0x5d: {  	_ =	shalt  }
0x5e: {  	_ =	shalt  }
0x5f: {  	_ =	shalt  }
0x60: {  	_ =	shalt  }
0x61: {  	_ =	shalt  }
0x62: {  	_ =	shalt  }
0x63: {  	_ =	shalt  }
0x64: {  	_ =	shalt  }
0x65: {  	_ =	shalt  }
0x66: {  	_ =	shalt  }
0x67: {  	_ =	shalt  }
0x68: {  	_ =	shalt  }
0x69: {  	_ =	shalt  }
0x6a: {  	_ =	shalt  }
0x6b: {  	_ =	shalt  }
0x6c: {  	_ =	shalt  }
0x6d: {  	_ =	shalt  }
0x6e: {  	_ =	shalt  }
0x6f: {  	_ =	shalt  }
0x70: {  	_ =	shalt  }
0x71: {  	_ =	shalt  }
0x72: {  	_ =	shalt  }
0x73: {  	_ =	shalt  }
0x74: {  	_ =	shalt  }
0x75: {  	_ =	shalt  }
0x76: {  	_ =	shalt  }
0x77: {  	_ =	shalt  }
0x78: {  	_ =	shalt  }
0x79: {  	_ =	shalt  }
0x7a: {  	_ =	shalt  }
0x7b: {  	_ =	shalt  }
0x7c: {  	_ =	shalt  }
0x7d: {  	_ =	shalt  }
0x7e: {  	_ =	shalt  }
0x7f: {  	_ =	shalt  }
0x80: {  	_ =	shalt  }
0x81: {  	_ =	shalt  }
0x82: {  	_ =	shalt  }
0x83: {  	_ =	shalt  }
0x84: {  	_ =	shalt  }
0x85: {  	_ =	shalt  }
0x86: {  	_ =	shalt  }
0x87: {  	_ =	shalt  }
.Lfunc_end0:
.L_simem_size_0:
called_computation_lowered:
.L_overlay_start_0:
0x88: {  	s2 =	sld [smem:$0x3FD9]  }
0x89: {  	s3 =	sld [smem:$0x3FFE];
	_ =	sdelay $0x1  }
0x8a: {  	s1 =	srdreg.scid  }
0x8b: {  	s0 =	sand.u32 $0x1, s1  }
0x8c: {  	s17 =	sshll.u32 s0, $0xA;
	s2 =	sadd.s32 s3, s2  }
0x8d: {  	s2 =	sadd.s32 s2, s17  }
0x8e: {  	[smem:$0x3FC0] =	sst s2  }
0x8f: {  	_ = 	snop  }
0x90: {  	s2 =	sld [smem:$0x3FC8]  }
0x91: {  	s18 =	sld [smem:$0x3FC7]  }
0x92: {  	s4 =	sld [smem:$0x3FD0];
	(tm) =	ssettm $0x1  }
0x93: {  	s5 =	sld [smem:$0x3FFB];
	_ =	sdelay $0x3  }
0x94: {  	_ =	strace s5  }
0x95: {  	s5 =	sld [smem:$0x3FFC];
	_ =	sdelay $0x3  }
0x96: {  	_ =	strace s5  }
0x97: {  	s5 =	sld [smem:$0x3FFD];
	_ =	sdelay $0x3  }
0x98: {  	_ =	strace s5  }
0x99: {  	_ =	strace $0x8FFFFFFF  }
0x9a: {  	s19 =	sld [smem:$0x3FDB];
	_ =	sdelay $0x1  }
0x9b: {  	s6 =	simm.s32 $_scs_section_size  }
0x9c: {  	s7 =	simm.s32 $_size__tile_overlayer_lowered;
	s8 =	simm.s32 $_tile_overlayer_lowered  }
0x9d: {  	s22 =	simm.s32 $0x1BFF;
	s21 =	sshll.u32 s8, $0x1;
	s5 =	sadd.s32 s6, s19  }
0x9e: {  	s9 =	simm.s32 $0x0;
	s20 =	sshll.u32 s7, $0x1;
	s7 =	sadd.s32 s21, s5  }
0x9f: {  	[timem:s9], [sflag:s22] =	dma.local [hbm:s7], s20  }
0xa0: {  	_ =	swait.ge [sflag:s22], s20  }
0xa1: {  	s6 =	ssub.s32 $0x0, s20;
	[sflag:s22] =	ssyncset.done $0x0  }
0xa2: {  	[sflag:s22] =	ssyncadd.s32 s6;
	_ =	sdelay $0x1  }
0xa3: {  	s23 =	simm.s32 $0x1B8B  }
0xa4: {  	_ =	swait.ge [sflag:s23], $0x1  }
0xa5: {  	[sflag:s23] =	ssyncset.done $0x0  }
0xa6: {  	s25 =	simm.s32 $0x1B8E;
	s24 =	sld [smem:$0x3FFE];
	[sflag:s23] =	ssyncadd.s32 $0xFFFFFFFF  }
0xa7: {  	s26 =	simm.s32 $execute0_lowered;
	[smem:$0x3FD2] =	sst s25  }
0xa8: {  	s7 =	sshll.u32 s26, $0x1;
	_ =	strace $0x80000046;
	[dreg:$0x1] =	wrdreg $0xFFFFFFFF  }
0xa9: {  	s28 =	simm.s32 $_size_execute0_lowered;
	s5 =	sadd.s32 s5, s7;
	[dreg:$0x0] =	wrdreg $0x0  }
0xaa: {  	s7 =	sshll.u32 s28, $0x1;
	[dreg:$0x2] =	wrdreg s5  }
0xab: {  	[dreg:$0x3] =	wrdreg s7  }
0xac: {  	[dreg:$0x4] =	wrdreg $0xC0  }
0xad: {  	_ =	task [dreg:s9], $0x5FFFF  }
0xae: {  	[dreg:$0x1] =	wrdreg $0xFFFFFFFF  }
0xaf: {  	[dreg:$0x0] =	wrdreg $0x60  }
0xb0: {  	[dreg:$0x2] =	wrdreg s4  }
0xb1: {  	[dreg:$0x3] =	wrdreg s24  }
0xb2: {  	[dreg:$0x4] =	wrdreg s2  }
0xb3: {  	[dreg:$0x5] =	wrdreg s18  }
0xb4: {  	[dreg:$0x6] =	wrdreg $0xA9000  }
0xb5: {  	[dreg:$0x7] =	wrdreg $0x9  }
0xb6: {  	_ =	task.clear_ibuf [dreg:s9], $0x8FFFF;
	_ =	strace $0x90000046  }
0xb7: {  	s29 =	simm.s32 $0x9;
	_ =	strace $0x80000048  }
0xb8: {  	_ =	swait.ge [sflag:s29], $0x1  }
0xb9: {  	[sflag:s29] =	ssyncadd.s32 $0xFFFFFFFF  }
0xba: {  	_ =	strace $0x90000048  }
0xbb: {  	_ =	sfence  }
0xbc: {  	s30 =	sld [smem:$0x0];
	_ =	sdelay $0x2  }
0xbd: {  	s31 =	sshll.u32 s1, $0xD;
	s1 =	sshrl.u32 s1, $0x2  }
0xbe: {  	s3 =	sand.u32 $0x4000, s31;
	s1 =	sadd.s32 s1, s30  }
0xbf: {  	s0 =	sor.u32 s3, s0;
	s1 =	sshll.u32 s1, $0x11  }
0xc0: {  	s0 =	sor.u32 s1, s0  }
0xc1: {  	s0 =	sadd.s32 $0x8F2B, s0  }
0xc2: {  	[sflag:s0] =	ssyncadd.remote.s32 $0x1  }
0xc3: {  	_ =	sfence.sel $0xFFFF  }
0xc4: {  	[dreg:$0x0] =	wrdreg $0xFFFFFFFF;
	(pc) =	sbr.abs _section_cstart, $3  }
0xc5: {  	[dreg:$0x1] =	wrdreg $0xFFFFFFFF  }
0xc6: {  	_ =	task.clear_ibuf [dreg:s9], $0x2FFFF;
	_ =	strace $0x9FFFFFFF  }
0xc7: {  	(tm) =	ssettm $0x7FFFFFFF  }
tec
execute0_lowered:
.L_overlay_start_1:
0x0: {  	(tag) =	ssettag $0x1  }
0x1: {  	s0 =	rddreg [dreg:$0x0]  }
0x2: {  	s1 =	rddreg [dreg:$0x1]  }
0x3: {  	s2 =	rddreg [dreg:$0x2]  }
0x4: {  	s3 =	srdreg.scid;
	s11 =	stileid.u32  }
0x5: {  	s4 =	rddreg [dreg:$0x3];
	s8 =	smul.u32 $0x14000, s11  }
0x6: {  	s5 =	rddreg [dreg:$0x4];
	s3 =	sand.u32 $0x1, s3;
	s9 =	smul.u32 $0x50000, s11  }
0x7: {  	s6 =	simm.s32 $0x0;
	s28 =	simm.s32 $0x3;
	s7 =	smul.u32 $0x140000, s3  }
0x8: {  	s29 =	simm.s32 $0x5;
	[smem:$0x7FF] =	sst s6;
	s19 =	ssub.s32 $0x2, s3  }
0x9: {  	s10 =	sshrl.u32 s19, $0x1;
	s9 =	sshrl.u32 s9, $0x2;
	s7 =	sadd.s32 s8, s7  }
0xa: {  	s10 =	ssub.s32 s19, s10;
	s8 =	sshrl.u32 s7, $0x3;
	s7 =	sadd.s32 $0x1600, s1  }
0xb: {  	s26 =	smax.u32 s10, $0x1;
	s1 =	sadd.s32 s8, s1;
	s8 =	sadd.s32 s9, s5  }
0xc: {  	_ =	strace $0x80000047;
	[dreg:$0xe] =	wrdreg s26;
	s9 =	sadd.s32 $0x2800, s8  }
0xd: {  	s30 =	simm.s32 $0x1;
	s20 =	sadd.s32 $0x5000, s8;
	[dreg:$0x6] =	wrdreg s9  }
0xe: {  	s31 =	simm.s32 $0x4;
	s21 =	sadd.s32 $0x7800, s8;
	[dreg:$0x7] =	wrdreg s20  }
0xf: {  	s11 =	sshll.u32 s11, $0x1;
	s22 =	sadd.s32 $0xA000, s8;
	[dreg:$0x8] =	wrdreg s21  }
0x10: {  	s3 =	sor.u32 s3, s11;
	s23 =	sadd.s32 $0xC800, s8;
	[dreg:$0x9] =	wrdreg s22  }
0x11: {  	s16 =	smul.u32 $0x2710, s3;
	s24 =	sadd.s32 $0xF000, s8;
	[dreg:$0xa] =	wrdreg s23  }
0x12: {  	s3 =	simm.s32 $0x6;
	s25 =	sadd.s32 $0x11800, s8;
	[dreg:$0xb] =	wrdreg s24  }
0x13: {  	s19 =	simm.s32 $0x900;
	s1 =	sadd.s32 $0x4E3600, s1;
	[dreg:$0xc] =	wrdreg s25  }
0x14: {  	s26 =	simm.s32 $0x8100;
	[dreg:$0xd] =	wrdreg s1;
	s20 =	simm.s32 $0x7  }
0x15: {  	s21 =	simm.s32 $0x800;
	s22 =	simm.s32 $0x50;
	s23 =	simm.s32 $0x5900  }
0x16: {  	v0 =	vimm.f32 $0.0e+00;
	s24 =	simm.s32 $0x880;
	s25 =	simm.s32 $0x3100;
	s1 =	simm.s32 $0x2  }
.LBB2_1:
0x17: {  	s9 =	simm.s32 $0x0;
	s10 =	simm.s32 $0x200  }
.LBB2_2:
0x18: {  	p0 =	sne.s32 s10, $0x9E00;
	[tilespmem:s9+$0x970] =	vst v0  }
0x19: {  	[tilespmem:s9+$0x900] =	vst v0  }
0x1a: {  	[tilespmem:s9+$0x910] =	vst v0  }
.Ltmp0:
0x1b: {  	[tilespmem:s9+$0x920] =	vst v0;
	(pc) =	sbr.rel @p0 .LBB2_2-.Ltmp0, $4  }
0x1c: {  	[tilespmem:s9+$0x930] =	vst v0  }
0x1d: {  	[tilespmem:s9+$0x940] =	vst v0  }
0x1e: {  	[tilespmem:s9+$0x950] =	vst v0  }
0x1f: {  	[tilespmem:s9+$0x960] =	vst v0;
	s9 =	sshra.s32 s10, $0x2;
	s10 =	sadd.s32 $0x200, s10  }
0x20: {  	[tilespmem:s9+$0x970] =	vst v0  }
0x21: {  	[tilespmem:s9+$0x900] =	vst v0  }
0x22: {  	[tilespmem:s9+$0x910] =	vst v0  }
0x23: {  	[tilespmem:s9+$0x920] =	vst v0  }
0x24: {  	[tilespmem:s9+$0x930] =	vst v0  }
0x25: {  	[tilespmem:s9+$0x940] =	vst v0  }
0x26: {  	[tilespmem:s9+$0x950] =	vst v0  }
0x27: {  	[tilespmem:s9+$0x960] =	vst v0  }
0x28: {  	[spmem:s8] =	stream.linear.scatter [tilespmem:s19], [sflag:$0x7], $0x2800, $0x38;
	[tilespmem:$0x1E900] =	vst v63  }
0x29: {  	_ =	swait.ge [sflag:s20], $0x2800  }
0x2a: {  	[sflag:s20] =	ssyncset.done $0x0  }
0x2b: {  	s11 =	rddreg [dreg:$0x6];
	[sflag:s20] =	ssyncadd.s32 $0xFFFFD800  }
0x2c: {  	[spmem:s11] =	stream.linear.scatter [tilespmem:s19], [sflag:$0x7], $0x2800, $0x38;
	[tilespmem:$0x1E900] =	vst v63  }
0x2d: {  	_ =	swait.ge [sflag:s20], $0x2800  }
0x2e: {  	[sflag:s20] =	ssyncset.done $0x0  }
0x2f: {  	s12 =	rddreg [dreg:$0x7];
	[sflag:s20] =	ssyncadd.s32 $0xFFFFD800  }
0x30: {  	[spmem:s12] =	stream.linear.scatter [tilespmem:s19], [sflag:$0x7], $0x2800, $0x38;
	[tilespmem:$0x1E900] =	vst v63  }
0x31: {  	_ =	swait.ge [sflag:s20], $0x2800  }
0x32: {  	[sflag:s20] =	ssyncset.done $0x0  }
0x33: {  	s13 =	rddreg [dreg:$0x8];
	[sflag:s20] =	ssyncadd.s32 $0xFFFFD800  }
0x34: {  	[spmem:s13] =	stream.linear.scatter [tilespmem:s19], [sflag:$0x7], $0x2800, $0x38;
	[tilespmem:$0x1E900] =	vst v63  }
0x35: {  	_ =	swait.ge [sflag:s20], $0x2800  }
0x36: {  	[sflag:s20] =	ssyncset.done $0x0  }
0x37: {  	s14 =	rddreg [dreg:$0x9];
	[sflag:s20] =	ssyncadd.s32 $0xFFFFD800  }
0x38: {  	[spmem:s14] =	stream.linear.scatter [tilespmem:s19], [sflag:$0x7], $0x2800, $0x38;
	[tilespmem:$0x1E900] =	vst v63  }
0x39: {  	_ =	swait.ge [sflag:s20], $0x2800  }
0x3a: {  	[sflag:s20] =	ssyncset.done $0x0  }
0x3b: {  	s15 =	rddreg [dreg:$0xa];
	[sflag:s20] =	ssyncadd.s32 $0xFFFFD800  }
0x3c: {  	[spmem:s15] =	stream.linear.scatter [tilespmem:s19], [sflag:$0x7], $0x2800, $0x38;
	[tilespmem:$0x1E900] =	vst v63  }
0x3d: {  	_ =	swait.ge [sflag:s20], $0x2800  }
0x3e: {  	[sflag:s20] =	ssyncset.done $0x0  }
0x3f: {  	s17 =	rddreg [dreg:$0xb];
	[sflag:s20] =	ssyncadd.s32 $0xFFFFD800  }
0x40: {  	[spmem:s17] =	stream.linear.scatter [tilespmem:s19], [sflag:$0x7], $0x2800, $0x38;
	[tilespmem:$0x1E900] =	vst v63  }
0x41: {  	_ =	swait.ge [sflag:s20], $0x2800  }
0x42: {  	[sflag:s20] =	ssyncset.done $0x0  }
0x43: {  	s18 =	rddreg [dreg:$0xc];
	[sflag:s20] =	ssyncadd.s32 $0xFFFFD800  }
0x44: {  	[spmem:s18] =	stream.linear.scatter [tilespmem:s19], [sflag:$0x7], $0x2800, $0x38;
	[tilespmem:$0x1E900] =	vst v63  }
0x45: {  	_ =	swait.ge [sflag:s20], $0x2800  }
0x46: {  	[sflag:s20] =	ssyncset.done $0x0  }
0x47: {  	[sflag:s20] =	ssyncadd.s32 $0xFFFFD800  }
0x48: {  	s9 =	simm.s32 $0x0;
	s10 =	simm.s32 $0x0;
	[bflag:$0x0] =	sbarrier.arrive $0xFFFF  }
.LBB2_4:
0x49: {  	s11 =	smul.u32 $0x7D0, s10;
	_ =	sdelay $0x1  }
0x4a: {  	s11 =	sadd.s32 s16, s11  }
0x4b: {  	s12 =	sshrl.u32 s11, $0x3  }
0x4c: {  	s13 =	sadd.s32 s2, s12  }
0x4d: {  	[tilespmem:s9], [sflag:$0x7] =	stream.linear.gather [hbm4b:s13+s9], $0x7D0, $0x38;
	[tilespmem:$0x1E900] =	vst v63  }
0x4e: {  	_ =	swait.ge [sflag:s20], $0x7D0  }
0x4f: {  	[sflag:s20] =	ssyncset.done $0x0  }
0x50: {  	s12 =	sadd.s32 s4, s12;
	[sflag:s20] =	ssyncadd.s32 $0xFFFFF830  }
0x51: {  	[tilespmem:s21], [sflag:$0x1] =	stream.linear.gather [hbm4b:s12+s9], $0x50, $0x38;
	[tilespmem:$0x1E900] =	vst v63  }
0x52: {  	s11 =	sshll.u32 s11, $0x4  }
0x53: {  	[tilespmem:s19], [sflag:$0x3] =	stream.indirect.gather [hbm4b:s0+s22], $0x80, s9, s22, $0xb8;
	[tilespmem:$0x1E900] =	vst v63  }
0x54: {  	s11 =	sadd.s32 s7, s11  }
0x55: {  	[tilespmem:s23], [sflag:$0x5] =	stream.linear.gather [hbm4b:s11+s9], $0x2800, $0x38;
	[tilespmem:$0x1E900] =	vst v63  }
0x56: {  	s12 =	simm.s32 $0x0;
	s11 =	smul.u32 $0x19, s10  }
.LBB2_5:
0x57: {  	s13 =	sshllo.u32 s12, $0x1  }
0x58: {  	s14 =	sadd.s32 s11, s13  }
0x59: {  	s14 =	smul.u32 $0x50, s14;
	_ =	sdelay $0x1  }
0x5a: {  	s14 =	sadd.s32 s16, s14  }
0x5b: {  	s15 =	sshrl.u32 s14, $0x3  }
0x5c: {  	s17 =	simm.s32 $0x0;
	s13 =	smul.u32 $0x140, s13;
	s15 =	sadd.s32 s4, s15  }
0x5d: {  	[tilespmem:s24], [sflag:$0x2] =	stream.linear.gather [hbm4b:s15+s17], $0x50, $0x38;
	[tilespmem:$0x1E900] =	vst v63  }
0x5e: {  	s13 =	sshra.s32 s13, $0x2;
	s18 =	sshll.u32 s14, $0x4  }
0x5f: {  	[tilespmem:s25], [sflag:$0x4] =	stream.indirect.gather [hbm4b:s0+s22], $0x80, s13, s22, $0xb8;
	[tilespmem:$0x1E900] =	vst v63  }
0x60: {  	s13 =	sadd.s32 s7, s18  }
0x61: {  	[tilespmem:s26], [sflag:$0x6] =	stream.linear.gather [hbm4b:s13+s17], $0x2800, $0x38;
	[tilespmem:$0x1E900] =	vst v63  }
0x62: {  	_ =	swait.ge [sflag:s28], $0x2800  }
0x63: {  	[sflag:s28] =	ssyncset.done $0x0  }
0x64: {  	[sflag:s28] =	ssyncadd.s32 $0xFFFFD800  }
0x65: {  	_ =	swait.ge [sflag:s29], $0x2800  }
0x66: {  	[sflag:s29] =	ssyncset.done $0x0  }
0x67: {  	s14 =	simm.s32 $0x0;
	[sflag:s29] =	ssyncadd.s32 $0xFFFFD800  }
0x68: {  	v2 =	vld [tilespmem:s14+$0x5910];
	_ =	sdelay $0x1  }
0x69: {  	v1 =	vld [tilespmem:s14+$0x5920]  }
0x6a: {  	v3 =	vld [tilespmem:s14+$0x5900];
	_ =	sdelay $0x1  }
0x6b: {  	v4 =	vld [tilespmem:s14+$0x5930];
	v5 =	vshll.u32 v2, $0x10  }
0x6c: {  	v6 =	vld [tilespmem:s14+$0x920];
	v5 =	vshra.s32 v5, $0x10  }
0x6d: {  	v5 =	vcvt.s32.f32 v5  }
0x6e: {  	v7 =	vld [tilespmem:s14+$0x950];
	v9 =	vshra.s32 v1, $0x10;
	v10 =	vshll.u32 v3, $0x10;
	v13 =	vshll.u32 v1, $0x10  }
0x6f: {  	v8 =	vld [tilespmem:s14+$0x900];
	v9 =	vcvt.s32.f32 v9;
	v10 =	vshra.s32 v10, $0x10;
	v5 =	vmul.f32 $9.765625000e-04, v5  }
0x70: {  	v11 =	vld [tilespmem:s14+$0x960];
	v14 =	vshll.u32 v4, $0x10;
	v2 =	vshra.s32 v2, $0x10;
	v10 =	vcvt.s32.f32 v10  }
0x71: {  	s13 =	simm.s32 $0x80;
	v12 =	vld [tilespmem:s14+$0x930];
	v14 =	vshra.s32 v14, $0x10;
	v9 =	vmul.f32 $9.765625000e-04, v9;
	v5 =	vadd.f32 v5, v6  }
0x72: {  	v15 =	vld [tilespmem:s13+$0x5920];
	v4 =	vshra.s32 v4, $0x10;
	v14 =	vcvt.s32.f32 v14;
	v10 =	vmul.f32 $9.765625000e-04, v10  }
0x73: {  	v1 =	vld [tilespmem:s13+$0x5930];
	v7 =	vadd.f32 v9, v7;
	v9 =	vcvt.s32.f32 v2;
	v5 =	vmax.f32 v5, $0.0e+00  }
0x74: {  	v3 =	vshra.s32 v3, $0x10;
	v6 =	vld [tilespmem:s14+$0x940];
	v8 =	vadd.f32 v10, v8;
	v10 =	vmul.f32 $9.765625000e-04, v14;
	[tilespmem:s14+$0x920] =	vst v5  }
0x75: {  	v7 =	vmax.f32 v7, $0.0e+00;
	v9 =	vmul.f32 $9.765625000e-04, v9;
	v5 =	vshra.s32 v13, $0x10;
	v13 =	vld [tilespmem:s13+$0x5910]  }
0x76: {  	v3 =	vcvt.s32.f32 v3;
	v5 =	vcvt.s32.f32 v5;
	v2 =	vld [tilespmem:s13+$0x5900];
	[tilespmem:s14+$0x950] =	vst v7;
	v7 =	vmax.f32 v8, $0.0e+00  }
0x77: {  	v4 =	vcvt.s32.f32 v4;
	v8 =	vadd.f32 v10, v11;
	[tilespmem:s14+$0x900] =	vst v7;
	v7 =	vadd.f32 v9, v12  }
0x78: {  	v3 =	vmul.f32 $9.765625000e-04, v3;
	v10 =	vld [tilespmem:s14+$0x970];
	v5 =	vmul.f32 $9.765625000e-04, v5  }
0x79: {  	v11 =	vld [tilespmem:s14+$0x910];
	v12 =	vmul.f32 $9.765625000e-04, v4;
	v8 =	vmax.f32 v8, $0.0e+00;
	v4 =	vmax.f32 v7, $0.0e+00  }
0x7a: {  	[tilespmem:s14+$0x960] =	vst v8;
	v7 =	vshra.s32 v15, $0x10;
	v8 =	vshll.u32 v1, $0x10;
	v5 =	vadd.f32 v5, v6  }
0x7b: {  	v6 =	vshll.u32 v15, $0x10;
	[tilespmem:s14+$0x930] =	vst v4;
	v4 =	vshra.s32 v8, $0x10;
	v9 =	vshll.u32 v13, $0x10  }
0x7c: {  	v7 =	vcvt.s32.f32 v7;
	v14 =	vld [tilespmem:s13+$0x920];
	v15 =	vshra.s32 v6, $0x10;
	v9 =	vshra.s32 v9, $0x10  }
0x7d: {  	v16 =	vshll.u32 v2, $0x10;
	v5 =	vmax.f32 v5, $0.0e+00;
	v17 =	vcvt.s32.f32 v9  }
0x7e: {  	v8 =	vld [tilespmem:s13+$0x950];
	v12 =	vadd.f32 v12, v10;
	v63 =	vadd.f32 v3, v11;
	v9 =	vshra.s32 v13, $0x10;
	[tilespmem:s14+$0x940] =	vst v5  }
0x7f: {  	v13 =	vcvt.s32.f32 v15;
	v15 =	vshra.s32 v16, $0x10;
	v6 =	vld [tilespmem:s13+$0x900];
	v62 =	vmul.f32 $9.765625000e-04, v17  }
0x80: {  	v10 =	vmul.f32 $9.765625000e-04, v7;
	v18 =	vmax.f32 v12, $0.0e+00;
	v5 =	vld [tilespmem:s13+$0x960];
	v12 =	vcvt.s32.f32 v15  }
0x81: {  	s15 =	sshll.u32 s12, $0x1;
	s17 =	simm.s32 $0x400;
	v7 =	vld [tilespmem:s13+$0x930];
	[tilespmem:s14+$0x970] =	vst v18;
	v3 =	vmul.f32 $9.765625000e-04, v13;
	v13 =	vmax.f32 v63, $0.0e+00;
	v11 =	vadd.f32 v62, v14  }
.LBB2_6:
0x82: {  	s18 =	sshra.s32 s17, $0x2;
	p0 =	sne.s32 s17, $0x9E00;
	s17 =	sadd.s32 $0x200, s17;
	v9 =	vcvt.s32.f32 v9;
	v14 =	vld [tilespmem:s13+$0x940];
	v4 =	vcvt.s32.f32 v4;
	v15 =	vshra.s32 v1, $0x10;
	[tilespmem:s14+$0x910] =	vst v13  }
0x83: {  	v8 =	vadd.f32 v10, v8;
	s14 =	smov.u32 s13;
	v1 =	vld [tilespmem:s18+$0x5930];
	v12 =	vmul.f32 $9.765625000e-04, v12;
	v11 =	vmax.f32 v11, $0.0e+00;
	s13 =	smov.u32 s18  }
0x84: {  	v10 =	vld [tilespmem:s13+$0x5920];
	v9 =	vmul.f32 $9.765625000e-04, v9;
	[tilespmem:s14+$0x920] =	vst v11;
	v4 =	vmul.f32 $9.765625000e-04, v4  }
0x85: {  	v8 =	vmax.f32 v8, $0.0e+00;
	v11 =	vld [tilespmem:s13+$0x5910];
	v6 =	vadd.f32 v12, v6;
	v12 =	vcvt.s32.f32 v15  }
0x86: {  	v13 =	vshra.s32 v2, $0x10;
	v2 =	vld [tilespmem:s13+$0x5900];
	v7 =	vadd.f32 v9, v7;
	[tilespmem:s14+$0x950] =	vst v8;
	v4 =	vadd.f32 v4, v5  }
0x87: {  	v5 =	vcvt.s32.f32 v13;
	v6 =	vmax.f32 v6, $0.0e+00;
	v12 =	vmul.f32 $9.765625000e-04, v12  }
0x88: {  	v3 =	vadd.f32 v3, v14;
	[tilespmem:s14+$0x900] =	vst v6;
	v6 =	vmax.f32 v7, $0.0e+00;
	v4 =	vmax.f32 v4, $0.0e+00;
	v7 =	vld [tilespmem:s14+$0x970]  }
0x89: {  	v9 =	vshll.u32 v1, $0x10;
	v8 =	vshll.u32 v10, $0x10;
	v10 =	vshra.s32 v10, $0x10;
	v13 =	vld [tilespmem:s14+$0x910];
	[tilespmem:s14+$0x960] =	vst v4  }
0x8a: {  	v5 =	vmul.f32 $9.765625000e-04, v5;
	v4 =	vshra.s32 v9, $0x10;
	v14 =	vshll.u32 v11, $0x10;
	[tilespmem:s14+$0x930] =	vst v6  }
0x8b: {  	v3 =	vmax.f32 v3, $0.0e+00;
	v15 =	vshra.s32 v8, $0x10;
	v6 =	vshra.s32 v14, $0x10;
	v14 =	vld [tilespmem:s13+$0x920]  }
.Ltmp1:
0x8c: {  	v9 =	vshra.s32 v11, $0x10;
	v16 =	vshll.u32 v2, $0x10;
	v17 =	vcvt.s32.f32 v6;
	v8 =	vld [tilespmem:s13+$0x950];
	[tilespmem:s14+$0x940] =	vst v3;
	(pc) =	sbr.rel @p0 .LBB2_6-.Ltmp1, $4  }
0x8d: {  	v10 =	vcvt.s32.f32 v10;
	v3 =	vcvt.s32.f32 v15;
	v6 =	vld [tilespmem:s13+$0x900];
	v7 =	vadd.f32 v12, v7  }
0x8e: {  	v11 =	vshra.s32 v16, $0x10;
	v15 =	vmul.f32 $9.765625000e-04, v17;
	v13 =	vadd.f32 v5, v13  }
0x8f: {  	v10 =	vmul.f32 $9.765625000e-04, v10;
	v3 =	vmul.f32 $9.765625000e-04, v3;
	v5 =	vld [tilespmem:s13+$0x960];
	v16 =	vmax.f32 v7, $0.0e+00  }
0x90: {  	v12 =	vcvt.s32.f32 v11;
	v11 =	vadd.f32 v15, v14;
	v7 =	vld [tilespmem:s13+$0x930];
	v13 =	vmax.f32 v13, $0.0e+00;
	[tilespmem:s14+$0x970] =	vst v16  }
0x91: {  	_ = 	snop  }
0x92: {  	v12 =	vmul.f32 $9.765625000e-04, v12  }
0x93: {  	v8 =	vadd.f32 v10, v8  }
0x94: {  	v14 =	vld [tilespmem:s13+$0x940];
	v4 =	vcvt.s32.f32 v4;
	v6 =	vadd.f32 v12, v6  }
0x95: {  	[tilespmem:s14+$0x910] =	vst v13;
	v2 =	vshra.s32 v2, $0x10;
	v8 =	vmax.f32 v8, $0.0e+00  }
0x96: {  	v4 =	vmul.f32 $9.765625000e-04, v4;
	[tilespmem:s13+$0x950] =	vst v8;
	v8 =	vcvt.s32.f32 v9;
	v9 =	vld [tilespmem:s13+$0x910];
	v6 =	vmax.f32 v6, $0.0e+00  }
0x97: {  	v1 =	vshra.s32 v1, $0x10;
	v2 =	vcvt.s32.f32 v2;
	[tilespmem:s13+$0x900] =	vst v6;
	v6 =	vld [tilespmem:s13+$0x970]  }
0x98: {  	v1 =	vcvt.s32.f32 v1;
	v4 =	vadd.f32 v4, v5;
	v8 =	vmul.f32 $9.765625000e-04, v8  }
0x99: {  	v10 =	vmax.f32 v11, $0.0e+00;
	v2 =	vmul.f32 $9.765625000e-04, v2;
	v3 =	vadd.f32 v3, v14  }
0x9a: {  	[tilespmem:s13+$0x920] =	vst v10;
	v1 =	vmul.f32 $9.765625000e-04, v1;
	v4 =	vmax.f32 v4, $0.0e+00;
	v5 =	vadd.f32 v8, v7  }
0x9b: {  	[tilespmem:s13+$0x960] =	vst v4;
	v3 =	vmax.f32 v3, $0.0e+00;
	v2 =	vadd.f32 v2, v9  }
0x9c: {  	[tilespmem:s13+$0x940] =	vst v3;
	v5 =	vmax.f32 v5, $0.0e+00;
	v1 =	vadd.f32 v1, v6  }
0x9d: {  	[tilespmem:s13+$0x930] =	vst v5;
	v2 =	vmax.f32 v2, $0.0e+00  }
0x9e: {  	s18 =	sadd.s32 $0x2, s15;
	[tilespmem:s13+$0x910] =	vst v2;
	v1 =	vmax.f32 v1, $0.0e+00  }
0x9f: {  	s15 =	sadd.s32 s11, s18;
	[tilespmem:s13+$0x970] =	vst v1  }
0xa0: {  	s14 =	smul.u32 $0x50, s15;
	_ =	swait.ge [sflag:s30], $0x50  }
0xa1: {  	[sflag:s30] =	ssyncset.done $0x0  }
0xa2: {  	s14 =	sadd.s32 s16, s14;
	[sflag:s30] =	ssyncadd.s32 $0xFFFFFFB0  }
0xa3: {  	[spmem:s5] =	stream.indirect.scatter.add.f32 [tilespmem:s19], [sflag:$0x7], $0x80, s21, s22, $0xb8;
	[tilespmem:$0x1E900] =	vst v63  }
0xa4: {  	s17 =	sshrl.u32 s14, $0x3;
	_ =	swait.ge [sflag:s20], $0x2800  }
0xa5: {  	s15 =	sadd.s32 s4, s17;
	[sflag:s20] =	ssyncset.done $0x0  }
0xa6: {  	s17 =	simm.s32 $0x0;
	s13 =	smul.u32 $0x140, s18;
	[sflag:s20] =	ssyncadd.s32 $0xFFFFD800  }
0xa7: {  	[tilespmem:s21], [sflag:$0x1] =	stream.linear.gather [hbm4b:s15+s17], $0x50, $0x38;
	[tilespmem:$0x1E900] =	vst v63  }
0xa8: {  	s18 =	sshll.u32 s14, $0x4;
	s13 =	sshra.s32 s13, $0x2  }
0xa9: {  	[tilespmem:s19], [sflag:$0x3] =	stream.indirect.gather [hbm4b:s0+s22], $0x80, s13, s22, $0xb8;
	[tilespmem:$0x1E900] =	vst v63  }
0xaa: {  	s13 =	sadd.s32 s7, s18  }
0xab: {  	[tilespmem:s23], [sflag:$0x5] =	stream.linear.gather [hbm4b:s13+s17], $0x2800, $0x38;
	[tilespmem:$0x1E900] =	vst v63  }
0xac: {  	_ =	swait.ge [sflag:s31], $0x2800  }
0xad: {  	[sflag:s31] =	ssyncset.done $0x0  }
0xae: {  	[sflag:s31] =	ssyncadd.s32 $0xFFFFD800  }
0xaf: {  	_ =	swait.ge [sflag:s3], $0x2800  }
0xb0: {  	[sflag:s3] =	ssyncset.done $0x0  }
0xb1: {  	s14 =	simm.s32 $0x0;
	[sflag:s3] =	ssyncadd.s32 $0xFFFFD800  }
0xb2: {  	v2 =	vld [tilespmem:s14+$0x8110];
	_ =	sdelay $0x1  }
0xb3: {  	v1 =	vld [tilespmem:s14+$0x8120]  }
0xb4: {  	v3 =	vld [tilespmem:s14+$0x8100];
	_ =	sdelay $0x1  }
0xb5: {  	v4 =	vld [tilespmem:s14+$0x8130];
	v5 =	vshll.u32 v2, $0x10  }
0xb6: {  	v6 =	vld [tilespmem:s14+$0x3120];
	v5 =	vshra.s32 v5, $0x10  }
0xb7: {  	v5 =	vcvt.s32.f32 v5  }
0xb8: {  	v7 =	vld [tilespmem:s14+$0x3150];
	v9 =	vshra.s32 v1, $0x10;
	v10 =	vshll.u32 v3, $0x10;
	v13 =	vshll.u32 v1, $0x10  }
0xb9: {  	v8 =	vld [tilespmem:s14+$0x3100];
	v9 =	vcvt.s32.f32 v9;
	v10 =	vshra.s32 v10, $0x10;
	v5 =	vmul.f32 $9.765625000e-04, v5  }
0xba: {  	v11 =	vld [tilespmem:s14+$0x3160];
	v14 =	vshll.u32 v4, $0x10;
	v2 =	vshra.s32 v2, $0x10;
	v10 =	vcvt.s32.f32 v10  }
0xbb: {  	s13 =	simm.s32 $0x80;
	v12 =	vld [tilespmem:s14+$0x3130];
	v14 =	vshra.s32 v14, $0x10;
	v9 =	vmul.f32 $9.765625000e-04, v9;
	v5 =	vadd.f32 v5, v6  }
0xbc: {  	v15 =	vld [tilespmem:s13+$0x8120];
	v4 =	vshra.s32 v4, $0x10;
	v14 =	vcvt.s32.f32 v14;
	v10 =	vmul.f32 $9.765625000e-04, v10  }
0xbd: {  	v1 =	vld [tilespmem:s13+$0x8130];
	v7 =	vadd.f32 v9, v7;
	v9 =	vcvt.s32.f32 v2;
	v5 =	vmax.f32 v5, $0.0e+00  }
0xbe: {  	v3 =	vshra.s32 v3, $0x10;
	v6 =	vld [tilespmem:s14+$0x3140];
	v8 =	vadd.f32 v10, v8;
	v10 =	vmul.f32 $9.765625000e-04, v14;
	[tilespmem:s14+$0x3120] =	vst v5  }
0xbf: {  	v7 =	vmax.f32 v7, $0.0e+00;
	v9 =	vmul.f32 $9.765625000e-04, v9;
	v5 =	vshra.s32 v13, $0x10;
	v13 =	vld [tilespmem:s13+$0x8110]  }
0xc0: {  	v3 =	vcvt.s32.f32 v3;
	v5 =	vcvt.s32.f32 v5;
	v2 =	vld [tilespmem:s13+$0x8100];
	[tilespmem:s14+$0x3150] =	vst v7;
	v7 =	vmax.f32 v8, $0.0e+00  }
0xc1: {  	v4 =	vcvt.s32.f32 v4;
	v8 =	vadd.f32 v10, v11;
	[tilespmem:s14+$0x3100] =	vst v7;
	v7 =	vadd.f32 v9, v12  }
0xc2: {  	v3 =	vmul.f32 $9.765625000e-04, v3;
	v10 =	vld [tilespmem:s14+$0x3170];
	v5 =	vmul.f32 $9.765625000e-04, v5  }
0xc3: {  	v11 =	vld [tilespmem:s14+$0x3110];
	v12 =	vmul.f32 $9.765625000e-04, v4;
	v8 =	vmax.f32 v8, $0.0e+00;
	v4 =	vmax.f32 v7, $0.0e+00  }
0xc4: {  	[tilespmem:s14+$0x3160] =	vst v8;
	v7 =	vshra.s32 v15, $0x10;
	v8 =	vshll.u32 v1, $0x10;
	v5 =	vadd.f32 v5, v6  }
0xc5: {  	v6 =	vshll.u32 v15, $0x10;
	[tilespmem:s14+$0x3130] =	vst v4;
	v4 =	vshra.s32 v8, $0x10;
	v9 =	vshll.u32 v13, $0x10  }
0xc6: {  	v7 =	vcvt.s32.f32 v7;
	v14 =	vld [tilespmem:s13+$0x3120];
	v15 =	vshra.s32 v6, $0x10;
	v9 =	vshra.s32 v9, $0x10  }
0xc7: {  	v16 =	vshll.u32 v2, $0x10;
	v5 =	vmax.f32 v5, $0.0e+00;
	v17 =	vcvt.s32.f32 v9  }
0xc8: {  	v8 =	vld [tilespmem:s13+$0x3150];
	v12 =	vadd.f32 v12, v10;
	v63 =	vadd.f32 v3, v11;
	v9 =	vshra.s32 v13, $0x10;
	[tilespmem:s14+$0x3140] =	vst v5  }
0xc9: {  	v13 =	vcvt.s32.f32 v15;
	v15 =	vshra.s32 v16, $0x10;
	v6 =	vld [tilespmem:s13+$0x3100];
	v62 =	vmul.f32 $9.765625000e-04, v17  }
0xca: {  	v10 =	vmul.f32 $9.765625000e-04, v7;
	v18 =	vmax.f32 v12, $0.0e+00;
	v5 =	vld [tilespmem:s13+$0x3160];
	v12 =	vcvt.s32.f32 v15  }
0xcb: {  	s15 =	simm.s32 $0x400;
	v7 =	vld [tilespmem:s13+$0x3130];
	[tilespmem:s14+$0x3170] =	vst v18;
	v3 =	vmul.f32 $9.765625000e-04, v13;
	v13 =	vmax.f32 v63, $0.0e+00;
	v11 =	vadd.f32 v62, v14  }
.LBB2_8:
0xcc: {  	s17 =	sshra.s32 s15, $0x2;
	p0 =	sne.s32 s15, $0x9E00;
	s15 =	sadd.s32 $0x200, s15;
	v9 =	vcvt.s32.f32 v9;
	v14 =	vld [tilespmem:s13+$0x3140];
	v4 =	vcvt.s32.f32 v4;
	v15 =	vshra.s32 v1, $0x10;
	[tilespmem:s14+$0x3110] =	vst v13  }
0xcd: {  	v8 =	vadd.f32 v10, v8;
	s14 =	smov.u32 s13;
	v1 =	vld [tilespmem:s17+$0x8130];
	v12 =	vmul.f32 $9.765625000e-04, v12;
	v11 =	vmax.f32 v11, $0.0e+00;
	s13 =	smov.u32 s17  }
0xce: {  	v10 =	vld [tilespmem:s13+$0x8120];
	v9 =	vmul.f32 $9.765625000e-04, v9;
	[tilespmem:s14+$0x3120] =	vst v11;
	v4 =	vmul.f32 $9.765625000e-04, v4  }
0xcf: {  	v8 =	vmax.f32 v8, $0.0e+00;
	v11 =	vld [tilespmem:s13+$0x8110];
	v6 =	vadd.f32 v12, v6;
	v12 =	vcvt.s32.f32 v15  }
0xd0: {  	v13 =	vshra.s32 v2, $0x10;
	v2 =	vld [tilespmem:s13+$0x8100];
	v7 =	vadd.f32 v9, v7;
	[tilespmem:s14+$0x3150] =	vst v8;
	v4 =	vadd.f32 v4, v5  }
0xd1: {  	v5 =	vcvt.s32.f32 v13;
	v6 =	vmax.f32 v6, $0.0e+00;
	v12 =	vmul.f32 $9.765625000e-04, v12  }
0xd2: {  	v3 =	vadd.f32 v3, v14;
	[tilespmem:s14+$0x3100] =	vst v6;
	v6 =	vmax.f32 v7, $0.0e+00;
	v4 =	vmax.f32 v4, $0.0e+00;
	v7 =	vld [tilespmem:s14+$0x3170]  }
0xd3: {  	v9 =	vshll.u32 v1, $0x10;
	v8 =	vshll.u32 v10, $0x10;
	v10 =	vshra.s32 v10, $0x10;
	v13 =	vld [tilespmem:s14+$0x3110];
	[tilespmem:s14+$0x3160] =	vst v4  }
0xd4: {  	v5 =	vmul.f32 $9.765625000e-04, v5;
	v4 =	vshra.s32 v9, $0x10;
	v14 =	vshll.u32 v11, $0x10;
	[tilespmem:s14+$0x3130] =	vst v6  }
0xd5: {  	v3 =	vmax.f32 v3, $0.0e+00;
	v15 =	vshra.s32 v8, $0x10;
	v6 =	vshra.s32 v14, $0x10;
	v14 =	vld [tilespmem:s13+$0x3120]  }
.Ltmp2:
0xd6: {  	v9 =	vshra.s32 v11, $0x10;
	v16 =	vshll.u32 v2, $0x10;
	v17 =	vcvt.s32.f32 v6;
	v8 =	vld [tilespmem:s13+$0x3150];
	[tilespmem:s14+$0x3140] =	vst v3;
	(pc) =	sbr.rel @p0 .LBB2_8-.Ltmp2, $4  }
0xd7: {  	v10 =	vcvt.s32.f32 v10;
	v3 =	vcvt.s32.f32 v15;
	v6 =	vld [tilespmem:s13+$0x3100];
	v7 =	vadd.f32 v12, v7  }
0xd8: {  	v11 =	vshra.s32 v16, $0x10;
	v15 =	vmul.f32 $9.765625000e-04, v17;
	v13 =	vadd.f32 v5, v13  }
0xd9: {  	v10 =	vmul.f32 $9.765625000e-04, v10;
	v3 =	vmul.f32 $9.765625000e-04, v3;
	v5 =	vld [tilespmem:s13+$0x3160];
	v16 =	vmax.f32 v7, $0.0e+00  }
0xda: {  	v12 =	vcvt.s32.f32 v11;
	v11 =	vadd.f32 v15, v14;
	v7 =	vld [tilespmem:s13+$0x3130];
	v13 =	vmax.f32 v13, $0.0e+00;
	[tilespmem:s14+$0x3170] =	vst v16  }
0xdb: {  	v8 =	vadd.f32 v10, v8;
	v4 =	vcvt.s32.f32 v4  }
0xdc: {  	v14 =	vld [tilespmem:s13+$0x3140];
	[tilespmem:s14+$0x3110] =	vst v13;
	v60 =	vcvt.s32.f32 v9;
	v1 =	vshra.s32 v1, $0x10;
	v12 =	vmul.f32 $9.765625000e-04, v12  }
0xdd: {  	v2 =	vshra.s32 v2, $0x10;
	v61 =	vld [tilespmem:s13+$0x3170];
	v8 =	vmax.f32 v8, $0.0e+00;
	v4 =	vmul.f32 $9.765625000e-04, v4  }
0xde: {  	v1 =	vcvt.s32.f32 v1;
	v62 =	vld [tilespmem:s13+$0x3110];
	v6 =	vadd.f32 v12, v6;
	[tilespmem:s13+$0x3150] =	vst v8;
	v8 =	vmul.f32 $9.765625000e-04, v60  }
0xdf: {  	v59 =	vmax.f32 v11, $0.0e+00;
	v2 =	vcvt.s32.f32 v2;
	v4 =	vadd.f32 v4, v5  }
0xe0: {  	[tilespmem:s13+$0x3120] =	vst v59;
	v1 =	vmul.f32 $9.765625000e-04, v1;
	v6 =	vmax.f32 v6, $0.0e+00;
	v63 =	vadd.f32 v8, v7  }
0xe1: {  	v2 =	vmul.f32 $9.765625000e-04, v2;
	v3 =	vadd.f32 v3, v14;
	[tilespmem:s13+$0x3100] =	vst v6;
	v4 =	vmax.f32 v4, $0.0e+00  }
0xe2: {  	v1 =	vadd.f32 v1, v61;
	v5 =	vmax.f32 v63, $0.0e+00;
	[tilespmem:s13+$0x3160] =	vst v4  }
0xe3: {  	v2 =	vadd.f32 v2, v62;
	v3 =	vmax.f32 v3, $0.0e+00;
	[tilespmem:s13+$0x3130] =	vst v5  }
0xe4: {  	[tilespmem:s13+$0x3140] =	vst v3;
	v1 =	vmax.f32 v1, $0.0e+00  }
0xe5: {  	v2 =	vmax.f32 v2, $0.0e+00;
	[tilespmem:s13+$0x3170] =	vst v1  }
0xe6: {  	[tilespmem:s13+$0x3110] =	vst v2  }
0xe7: {  	s12 =	sadd.s32 $0x1, s12;
	_ =	swait.ge [sflag:s1], $0x50  }
0xe8: {  	p0 =	sne.s32 s12, $0xC;
	[sflag:s1] =	ssyncset.done $0x0  }
.Ltmp3:
0xe9: {  	[sflag:s1] =	ssyncadd.s32 $0xFFFFFFB0;
	(pc) =	sbr.rel @p0 .LBB2_5-.Ltmp3, $4  }
0xea: {  	[spmem:s5] =	stream.indirect.scatter.add.f32 [tilespmem:s25], [sflag:$0x7], $0x80, s24, s22, $0xb8;
	[tilespmem:$0x1E900] =	vst v63  }
0xeb: {  	_ =	swait.ge [sflag:s20], $0x2800  }
0xec: {  	[sflag:s20] =	ssyncset.done $0x0  }
0xed: {  	[sflag:s20] =	ssyncadd.s32 $0xFFFFD800  }
0xee: {  	_ =	swait.ge [sflag:s28], $0x2800  }
0xef: {  	[sflag:s28] =	ssyncset.done $0x0  }
0xf0: {  	[sflag:s28] =	ssyncadd.s32 $0xFFFFD800  }
0xf1: {  	_ =	swait.ge [sflag:s29], $0x2800  }
0xf2: {  	[sflag:s29] =	ssyncset.done $0x0  }
0xf3: {  	s12 =	simm.s32 $0x0;
	[sflag:s29] =	ssyncadd.s32 $0xFFFFD800  }
0xf4: {  	v2 =	vld [tilespmem:s12+$0x5910];
	_ =	sdelay $0x1  }
0xf5: {  	v1 =	vld [tilespmem:s12+$0x5920]  }
0xf6: {  	v3 =	vld [tilespmem:s12+$0x5900];
	_ =	sdelay $0x1  }
0xf7: {  	v4 =	vld [tilespmem:s12+$0x5930];
	v5 =	vshll.u32 v2, $0x10  }
0xf8: {  	v6 =	vld [tilespmem:s12+$0x920];
	v5 =	vshra.s32 v5, $0x10  }
0xf9: {  	v5 =	vcvt.s32.f32 v5  }
0xfa: {  	v7 =	vld [tilespmem:s12+$0x950];
	v9 =	vshra.s32 v1, $0x10;
	v10 =	vshll.u32 v3, $0x10;
	v13 =	vshll.u32 v1, $0x10  }
0xfb: {  	v8 =	vld [tilespmem:s12+$0x900];
	v9 =	vcvt.s32.f32 v9;
	v10 =	vshra.s32 v10, $0x10;
	v5 =	vmul.f32 $9.765625000e-04, v5  }
0xfc: {  	v11 =	vld [tilespmem:s12+$0x960];
	v14 =	vshll.u32 v4, $0x10;
	v2 =	vshra.s32 v2, $0x10;
	v10 =	vcvt.s32.f32 v10  }
0xfd: {  	s11 =	simm.s32 $0x80;
	v12 =	vld [tilespmem:s12+$0x930];
	v14 =	vshra.s32 v14, $0x10;
	v9 =	vmul.f32 $9.765625000e-04, v9;
	v5 =	vadd.f32 v5, v6  }
0xfe: {  	v15 =	vld [tilespmem:s11+$0x5920];
	v4 =	vshra.s32 v4, $0x10;
	v14 =	vcvt.s32.f32 v14;
	v10 =	vmul.f32 $9.765625000e-04, v10  }
0xff: {  	v1 =	vld [tilespmem:s11+$0x5930];
	v7 =	vadd.f32 v9, v7;
	v9 =	vcvt.s32.f32 v2;
	v5 =	vmax.f32 v5, $0.0e+00  }
0x100: {  	v3 =	vshra.s32 v3, $0x10;
	v6 =	vld [tilespmem:s12+$0x940];
	v8 =	vadd.f32 v10, v8;
	v10 =	vmul.f32 $9.765625000e-04, v14;
	[tilespmem:s12+$0x920] =	vst v5  }
0x101: {  	v7 =	vmax.f32 v7, $0.0e+00;
	v9 =	vmul.f32 $9.765625000e-04, v9;
	v5 =	vshra.s32 v13, $0x10;
	v13 =	vld [tilespmem:s11+$0x5910]  }
0x102: {  	v3 =	vcvt.s32.f32 v3;
	v5 =	vcvt.s32.f32 v5;
	v2 =	vld [tilespmem:s11+$0x5900];
	[tilespmem:s12+$0x950] =	vst v7;
	v7 =	vmax.f32 v8, $0.0e+00  }
0x103: {  	v4 =	vcvt.s32.f32 v4;
	v8 =	vadd.f32 v10, v11;
	[tilespmem:s12+$0x900] =	vst v7;
	v7 =	vadd.f32 v9, v12  }
0x104: {  	v3 =	vmul.f32 $9.765625000e-04, v3;
	v10 =	vld [tilespmem:s12+$0x970];
	v5 =	vmul.f32 $9.765625000e-04, v5  }
0x105: {  	v11 =	vld [tilespmem:s12+$0x910];
	v12 =	vmul.f32 $9.765625000e-04, v4;
	v8 =	vmax.f32 v8, $0.0e+00;
	v4 =	vmax.f32 v7, $0.0e+00  }
0x106: {  	[tilespmem:s12+$0x960] =	vst v8;
	v7 =	vshra.s32 v15, $0x10;
	v8 =	vshll.u32 v1, $0x10;
	v5 =	vadd.f32 v5, v6  }
0x107: {  	v6 =	vshll.u32 v15, $0x10;
	[tilespmem:s12+$0x930] =	vst v4;
	v4 =	vshra.s32 v8, $0x10;
	v9 =	vshll.u32 v13, $0x10  }
0x108: {  	v7 =	vcvt.s32.f32 v7;
	v14 =	vld [tilespmem:s11+$0x920];
	v15 =	vshra.s32 v6, $0x10;
	v9 =	vshra.s32 v9, $0x10  }
0x109: {  	v16 =	vshll.u32 v2, $0x10;
	v5 =	vmax.f32 v5, $0.0e+00;
	v17 =	vcvt.s32.f32 v9  }
0x10a: {  	v8 =	vld [tilespmem:s11+$0x950];
	v12 =	vadd.f32 v12, v10;
	v63 =	vadd.f32 v3, v11;
	v9 =	vshra.s32 v13, $0x10;
	[tilespmem:s12+$0x940] =	vst v5  }
0x10b: {  	v13 =	vcvt.s32.f32 v15;
	v15 =	vshra.s32 v16, $0x10;
	v6 =	vld [tilespmem:s11+$0x900];
	v62 =	vmul.f32 $9.765625000e-04, v17  }
0x10c: {  	v10 =	vmul.f32 $9.765625000e-04, v7;
	v18 =	vmax.f32 v12, $0.0e+00;
	v5 =	vld [tilespmem:s11+$0x960];
	v12 =	vcvt.s32.f32 v15  }
0x10d: {  	s13 =	simm.s32 $0x400;
	v7 =	vld [tilespmem:s11+$0x930];
	[tilespmem:s12+$0x970] =	vst v18;
	v3 =	vmul.f32 $9.765625000e-04, v13;
	v13 =	vmax.f32 v63, $0.0e+00;
	v11 =	vadd.f32 v62, v14  }
.LBB2_11:
0x10e: {  	s14 =	sshra.s32 s13, $0x2;
	p0 =	sne.s32 s13, $0x9E00;
	s13 =	sadd.s32 $0x200, s13;
	v9 =	vcvt.s32.f32 v9;
	v14 =	vld [tilespmem:s11+$0x940];
	v4 =	vcvt.s32.f32 v4;
	v15 =	vshra.s32 v1, $0x10;
	[tilespmem:s12+$0x910] =	vst v13  }
0x10f: {  	v8 =	vadd.f32 v10, v8;
	s12 =	smov.u32 s11;
	v1 =	vld [tilespmem:s14+$0x5930];
	v12 =	vmul.f32 $9.765625000e-04, v12;
	v11 =	vmax.f32 v11, $0.0e+00;
	s11 =	smov.u32 s14  }
0x110: {  	v10 =	vld [tilespmem:s11+$0x5920];
	v9 =	vmul.f32 $9.765625000e-04, v9;
	[tilespmem:s12+$0x920] =	vst v11;
	v4 =	vmul.f32 $9.765625000e-04, v4  }
0x111: {  	v8 =	vmax.f32 v8, $0.0e+00;
	v11 =	vld [tilespmem:s11+$0x5910];
	v6 =	vadd.f32 v12, v6;
	v12 =	vcvt.s32.f32 v15  }
0x112: {  	v13 =	vshra.s32 v2, $0x10;
	v2 =	vld [tilespmem:s11+$0x5900];
	v7 =	vadd.f32 v9, v7;
	[tilespmem:s12+$0x950] =	vst v8;
	v4 =	vadd.f32 v4, v5  }
0x113: {  	v5 =	vcvt.s32.f32 v13;
	v6 =	vmax.f32 v6, $0.0e+00;
	v12 =	vmul.f32 $9.765625000e-04, v12  }
0x114: {  	v3 =	vadd.f32 v3, v14;
	[tilespmem:s12+$0x900] =	vst v6;
	v6 =	vmax.f32 v7, $0.0e+00;
	v4 =	vmax.f32 v4, $0.0e+00;
	v7 =	vld [tilespmem:s12+$0x970]  }
0x115: {  	v9 =	vshll.u32 v1, $0x10;
	v8 =	vshll.u32 v10, $0x10;
	v10 =	vshra.s32 v10, $0x10;
	v13 =	vld [tilespmem:s12+$0x910];
	[tilespmem:s12+$0x960] =	vst v4  }
0x116: {  	v5 =	vmul.f32 $9.765625000e-04, v5;
	v4 =	vshra.s32 v9, $0x10;
	v14 =	vshll.u32 v11, $0x10;
	[tilespmem:s12+$0x930] =	vst v6  }
0x117: {  	v3 =	vmax.f32 v3, $0.0e+00;
	v15 =	vshra.s32 v8, $0x10;
	v6 =	vshra.s32 v14, $0x10;
	v14 =	vld [tilespmem:s11+$0x920]  }
.Ltmp4:
0x118: {  	v9 =	vshra.s32 v11, $0x10;
	v16 =	vshll.u32 v2, $0x10;
	v17 =	vcvt.s32.f32 v6;
	v8 =	vld [tilespmem:s11+$0x950];
	[tilespmem:s12+$0x940] =	vst v3;
	(pc) =	sbr.rel @p0 .LBB2_11-.Ltmp4, $4  }
0x119: {  	v10 =	vcvt.s32.f32 v10;
	v3 =	vcvt.s32.f32 v15;
	v6 =	vld [tilespmem:s11+$0x900];
	v7 =	vadd.f32 v12, v7  }
0x11a: {  	v11 =	vshra.s32 v16, $0x10;
	v15 =	vmul.f32 $9.765625000e-04, v17;
	v13 =	vadd.f32 v5, v13  }
0x11b: {  	v10 =	vmul.f32 $9.765625000e-04, v10;
	v3 =	vmul.f32 $9.765625000e-04, v3;
	v5 =	vld [tilespmem:s11+$0x960];
	v16 =	vmax.f32 v7, $0.0e+00  }
0x11c: {  	v12 =	vcvt.s32.f32 v11;
	v11 =	vadd.f32 v15, v14;
	v7 =	vld [tilespmem:s11+$0x930];
	v13 =	vmax.f32 v13, $0.0e+00;
	[tilespmem:s12+$0x970] =	vst v16  }
0x11d: {  	v8 =	vadd.f32 v10, v8;
	v4 =	vcvt.s32.f32 v4  }
0x11e: {  	v14 =	vld [tilespmem:s11+$0x940];
	[tilespmem:s12+$0x910] =	vst v13;
	v60 =	vcvt.s32.f32 v9;
	v1 =	vshra.s32 v1, $0x10;
	v12 =	vmul.f32 $9.765625000e-04, v12  }
0x11f: {  	v2 =	vshra.s32 v2, $0x10;
	v61 =	vld [tilespmem:s11+$0x970];
	v8 =	vmax.f32 v8, $0.0e+00;
	v4 =	vmul.f32 $9.765625000e-04, v4  }
0x120: {  	v1 =	vcvt.s32.f32 v1;
	v62 =	vld [tilespmem:s11+$0x910];
	v6 =	vadd.f32 v12, v6;
	[tilespmem:s11+$0x950] =	vst v8;
	v8 =	vmul.f32 $9.765625000e-04, v60  }
0x121: {  	v59 =	vmax.f32 v11, $0.0e+00;
	v2 =	vcvt.s32.f32 v2;
	v4 =	vadd.f32 v4, v5  }
0x122: {  	[tilespmem:s11+$0x920] =	vst v59;
	v1 =	vmul.f32 $9.765625000e-04, v1;
	v6 =	vmax.f32 v6, $0.0e+00;
	v63 =	vadd.f32 v8, v7  }
0x123: {  	v2 =	vmul.f32 $9.765625000e-04, v2;
	v3 =	vadd.f32 v3, v14;
	[tilespmem:s11+$0x900] =	vst v6;
	v4 =	vmax.f32 v4, $0.0e+00  }
0x124: {  	v1 =	vadd.f32 v1, v61;
	v5 =	vmax.f32 v63, $0.0e+00;
	[tilespmem:s11+$0x960] =	vst v4  }
0x125: {  	v2 =	vadd.f32 v2, v62;
	v3 =	vmax.f32 v3, $0.0e+00;
	[tilespmem:s11+$0x930] =	vst v5  }
0x126: {  	[tilespmem:s11+$0x940] =	vst v3;
	v1 =	vmax.f32 v1, $0.0e+00  }
0x127: {  	v2 =	vmax.f32 v2, $0.0e+00;
	[tilespmem:s11+$0x970] =	vst v1  }
0x128: {  	[tilespmem:s11+$0x910] =	vst v2  }
0x129: {  	s10 =	sadd.s32 $0x1, s10;
	_ =	swait.ge [sflag:s30], $0x50  }
0x12a: {  	p0 =	sne.s32 s10, $0x5;
	[sflag:s30] =	ssyncset.done $0x0  }
.Ltmp5:
0x12b: {  	[sflag:s30] =	ssyncadd.s32 $0xFFFFFFB0;
	(pc) =	sbr.rel @p0 .LBB2_4-.Ltmp5, $4  }
0x12c: {  	[spmem:s5] =	stream.indirect.scatter.add.f32 [tilespmem:s19], [sflag:$0x7], $0x80, s21, s22, $0xb8;
	[tilespmem:$0x1E900] =	vst v63  }
0x12d: {  	_ =	swait.ge [sflag:s20], $0x2800  }
0x12e: {  	[sflag:s20] =	ssyncset.done $0x0  }
0x12f: {  	[sflag:s20] =	ssyncadd.s32 $0xFFFFD800  }
0x130: {  	s9 =	stileid.u32  }
0x131: {  	[bflag:$0x0] =	sbarrier.arrive $0xFFFF;
	s9 =	sshll.u32 s9, $0x6  }
0x132: {  	s10 =	sshrl.u32 s8, $0x3;
	s11 =	rddreg [dreg:$0xd];
	s9 =	sor.u32 $0x1C07, s9  }
0x133: {  	[hbm:s11], [sflag:s9] =	dma.local [spmem:s10], $0x2800  }
0x134: {  	_ =	swait.ge [sflag:s20], $0x2800  }
0x135: {  	s6 =	sadd.s32 $0x1, s6;
	s18 =	rddreg [dreg:$0xe]  }
0x136: {  	p0 =	sne.s32 s6, s18  }
.Ltmp6:
0x137: {  	_ = 	snop;
	(pc) =	sbr.rel @p0 .LBB2_1-.Ltmp6, $3  }
0x138: {  	_ =	sdelay $0x1  }
0x139: {  	[sflag:s20] =	ssyncset.done $0x0  }
0x13a: {  	[sflag:s20] =	ssyncadd.s32 $0xFFFFD800  }
0x13b: {  	_ =	sfence.sel $0x180000  }
0x13c: {  	[bflag:$0x0] =	sbarrier.arrive $0xFFFF  }
0x13d: {  	_ =	strace $0x90000047  }
0x13e: {  	s0 =	stileid.u32;
	[bflag:$0x2] =	sbarrier.arrive $0xFFFF  }
0x13f: {  	p0 =	sne.s32 s0, $0x0;
	s0 =	rddreg [dreg:$0x5]  }
0x140: {  	s0 =	sadd.s32 @!p0 $0x100000, s0  }
0x141: {  	[sflag:s0] =	ssyncadd.tile.s32 @!p0 $0x1;
	_ =	shalt  }
.Lfunc_end2:
_tile_overlayer_lowered:
.L_overlay_start_2:
0x142: {  	(tag) =	ssettag $0x2  }
0x143: {  	s0 =	rddreg [dreg:$0x0];
	s2 =	stileid.u32  }
0x144: {  	s1 =	rddreg [dreg:$0x1];
	p0 =	sne.s32 s2, $0x0  }
0x145: {  	s3 =	rddreg [dreg:$0x2];
	[bflag:$0x3] =	sbarrier.arrive $0xFFFF;
	s2 =	simm.s32 @!p0 $0x1C07  }
0x146: {  	[timem:s3], [sflag:s2] =	dma.local @!p0 [hbm:s0], s1  }
0x147: {  	s0 =	simm.s32 @!p0 $0x7  }
0x148: {  	_ =	swait.ge @!p0 [sflag:s0], s1  }
0x149: {  	s1 =	ssub.s32 @!p0 $0x0, s1;
	[sflag:s0] =	ssyncset.done @!p0 $0x0  }
0x14a: {  	[sflag:s0] =	ssyncadd.s32 @!p0 s1  }
0x14b: {  	[bflag:$0x3] =	sbarrier.arrive $0xFFFF  }
0x14c: {  	_ =	shalt  }

</sc_bundles>
